<compile_context>
chip_gen: v7x
topology: tpu7x:2x2x1
jax: 0.10.2.dev20260603
libtpu: 0.0.44.dev20260713+nightly
codegen_flags: <defaults>
</compile_context>

<pallas_src>
import functools

import jax
import jax.numpy as jnp
from jax import lax
from jax.experimental import pallas as pl
from jax.experimental.pallas import tpu as pltpu
from jax.experimental.pallas import tpu_sc as plsc

_N = 10000
_E = 320000
_DE = 16
_DF = 128
_DH = 128
_DO = 128
_NG = 64

_NC = 2
_NS = 16
_NW = _NC * _NS
_EPW = _E // _NW
_CH = 2000
_NCHUNK = _EPW // _CH
_IB = 80
_KPC = _CH // _IB
_IROWS = _EPW // _IB
_NPAD = 10240
_SROWS = _NPAD // _NS

_TR = 1000


def _sc_body(ea_hbm, src_hbm, sums_hbm, cnts_hbm,
             ea_buf, idx_buf, ones_buf, sums_sh, cnts_sh, sem):
    cid = lax.axis_index("c")
    sid = lax.axis_index("s")
    w = sid * _NC + cid

    def _zero(i, _):
        ones_buf[i, :] = jnp.zeros((16,), jnp.float32)
        return 0

    lax.fori_loop(0, _SROWS, _zero, 0)
    pltpu.sync_copy(ones_buf.at[pl.ds(0, _SROWS)],
                    sums_sh.at[pl.ds(sid * _SROWS, _SROWS)])
    pltpu.sync_copy(ones_buf.at[pl.ds(0, _SROWS)],
                    cnts_sh.at[pl.ds(sid * _SROWS, _SROWS)])

    def _ones(i, _):
        ones_buf[i, :] = jnp.ones((16,), jnp.float32)
        return 0

    lax.fori_loop(0, _CH, _ones, 0)
    plsc.subcore_barrier()

    pltpu.sync_copy(src_hbm.at[0, w], idx_buf)

    for k in range(_NCHUNK):
        e0 = w * _EPW + k * _CH
        pltpu.sync_copy(ea_hbm.at[pl.ds(e0, _CH)], ea_buf)

        def _fire(t, _):
            pltpu.async_copy(ea_buf.at[pl.ds(t * _IB, _IB)],
                             sums_sh.at[idx_buf.at[k * _KPC + t]], sem,
                             add=True)
            return 0

        lax.fori_loop(0, _KPC, _fire, 0)

        def _drain(t, _):
            pltpu.make_async_copy(ea_buf.at[pl.ds(t * _IB, _IB)],
                                  sums_sh.at[idx_buf.at[k * _KPC + t]],
                                  sem).wait()
            return 0

        lax.fori_loop(0, _KPC, _drain, 0)

        def _cfire(t, _):
            pltpu.async_copy(ones_buf.at[pl.ds(t * _IB, _IB)],
                             cnts_sh.at[idx_buf.at[k * _KPC + t]], sem,
                             add=True)
            return 0

        lax.fori_loop(0, _KPC, _cfire, 0)

        def _cdrain(t, _):
            pltpu.make_async_copy(ones_buf.at[pl.ds(t * _IB, _IB)],
                                  cnts_sh.at[idx_buf.at[k * _KPC + t]],
                                  sem).wait()
            return 0

        lax.fori_loop(0, _KPC, _cdrain, 0)

    plsc.subcore_barrier()

    pltpu.sync_copy(sums_sh.at[pl.ds(sid * _SROWS, _SROWS)],
                    sums_hbm.at[cid, pl.ds(sid * _SROWS, _SROWS)])
    pltpu.sync_copy(cnts_sh.at[pl.ds(sid * _SROWS, _SROWS)],
                    cnts_hbm.at[cid, pl.ds(sid * _SROWS, _SROWS)])


def _scatter_sc(edge_attr, src2):
    mesh = plsc.VectorSubcoreMesh(core_axis_name="c", subcore_axis_name="s")
    f = pl.kernel(
        _sc_body,
        out_type=[
            jax.ShapeDtypeStruct((_NC, _NPAD, _DE), jnp.float32),
            jax.ShapeDtypeStruct((_NC, _NPAD, 16), jnp.float32),
        ],
        mesh=mesh,
        scratch_types=[
            pltpu.VMEM((_CH, _DE), jnp.float32),
            pltpu.VMEM((_IROWS, _IB), jnp.int32),
            pltpu.VMEM((_CH, 16), jnp.float32),
            pltpu.VMEM_SHARED((_NPAD, _DE), jnp.float32),
            pltpu.VMEM_SHARED((_NPAD, 16), jnp.float32),
            pltpu.SemaphoreType.DMA,
        ],
        compiler_params=pltpu.CompilerParams(needs_layout_passes=False,
                                             use_tc_tiling_on_sc=False),
    )
    return f(edge_attr, src2)


def _tc1_body(x_ref, b_ref, u_ref, w1_ref, b1_ref, a_ref):
    xw = jnp.dot(x_ref[...], w1_ref[0:_DF, :],
                 preferred_element_type=jnp.float32)
    uwb = jnp.dot(u_ref[...], w1_ref[_DF + _DE:, :],
                  preferred_element_type=jnp.float32) + b1_ref[...]
    oh = (b_ref[...] == lax.broadcasted_iota(jnp.int32, (1, _NG), 1))
    uemb = jnp.dot(oh.astype(jnp.float32), uwb,
                   preferred_element_type=jnp.float32)
    a_ref[...] = xw + uemb


def _mlp_tc1(x, batch2, u, W1, b1r):
    grid = (_N // _TR,)
    return pl.pallas_call(
        _tc1_body,
        grid=grid,
        in_specs=[
            pl.BlockSpec((_TR, _DF), lambda i: (i, 0)),
            pl.BlockSpec((_TR, 1), lambda i: (i, 0)),
            pl.BlockSpec((_NG, 16), lambda i: (0, 0)),
            pl.BlockSpec((_DF + _DE + 16, _DH), lambda i: (0, 0)),
            pl.BlockSpec((1, _DH), lambda i: (0, 0)),
        ],
        out_specs=pl.BlockSpec((_TR, _DH), lambda i: (i, 0)),
        out_shape=jax.ShapeDtypeStruct((_N, _DH), jnp.float32),
    )(x, batch2, u, W1, b1r)


def _tc2_body(a_ref, s_ref, c_ref, w1_ref, w2_ref, b2_ref, o_ref):
    s = s_ref[0] + s_ref[1]
    c = c_ref[0, :, 0:1] + c_ref[1, :, 0:1]
    r = 1.0 / jnp.maximum(c, 1.0)
    vew = jnp.dot(s, w1_ref[_DF:_DF + _DE, :],
                  preferred_element_type=jnp.float32) * r
    a = a_ref[...] + vew
    h = jnp.maximum(a, 0.0) + jnp.log1p(jnp.exp(-jnp.abs(a)))
    o_ref[...] = jnp.dot(h, w2_ref[...],
                         preferred_element_type=jnp.float32) + b2_ref[...]


def _mlp_tc2(a, sums3, cnts3, W1, W2, b2r):
    grid = (_N // _TR,)
    return pl.pallas_call(
        _tc2_body,
        grid=grid,
        in_specs=[
            pl.BlockSpec((_TR, _DH), lambda i: (i, 0)),
            pl.BlockSpec((_NC, _TR, _DE), lambda i: (0, i, 0)),
            pl.BlockSpec((_NC, _TR, 16), lambda i: (0, i, 0)),
            pl.BlockSpec((_DF + _DE + 16, _DH), lambda i: (0, 0)),
            pl.BlockSpec((_DH, _DO), lambda i: (0, 0)),
            pl.BlockSpec((1, _DO), lambda i: (0, 0)),
        ],
        out_specs=pl.BlockSpec((_TR, _DO), lambda i: (i, 0)),
        out_shape=jax.ShapeDtypeStruct((_N, _DO), jnp.float32),
    )(a, sums3, cnts3, W1, W2, b2r)


def kernel(x, edge_index, edge_attr, u, batch, W1, b1, W2, b2):
    src4 = edge_index.reshape(2, _NW, _IROWS, _IB)
    sums_raw, cnts_raw = _scatter_sc(edge_attr, src4)
    batch2 = batch.astype(jnp.int32).reshape(_N, 1)
    a = _mlp_tc1(x, batch2, u, W1, b1.reshape(1, _DH))
    return _mlp_tc2(a, sums_raw, cnts_raw, W1, W2, b2.reshape(1, _DO))

# --- scband reference (transcript-rebuilt; emitter-appended) ---
"""Pipeline reference for scband-megnet-node-model-82343112999493 (READ-ONLY COPY).

The authoritative reference and input builder live on the scoring server;
editing this copy changes nothing except your own understanding.
"""

import jax, jax.numpy as jnp
import numpy as np

N = 10000
E = 320000
D_FEAT = 128
D_EDGE = 16
D_U = 16
N_GRAPHS = 64
D_IN = D_FEAT + D_EDGE + D_U  # 160, matches init_kwargs input_dim
D_HID = 128
D_OUT = 128


def setup_inputs(seed: int = 0) -> dict:
    key = jax.random.key(seed)
    ks = jax.random.split(key, 10)
    x = jax.random.normal(ks[0], (N, D_FEAT), dtype=jnp.float32)
    edge_index = jax.random.randint(ks[1], (2, E), 0, N)
    edge_attr = jax.random.normal(ks[2], (E, D_EDGE), dtype=jnp.float32)
    u = jax.random.normal(ks[3], (N_GRAPHS, D_U), dtype=jnp.float32)
    batch = jnp.sort(jax.random.randint(ks[4], (N,), 0, N_GRAPHS))
    # FCNN parameters (2-layer MLP with softplus, as in MEGNet blocks)
    W1 = jax.random.normal(ks[5], (D_IN, D_HID), dtype=jnp.float32) * (1.0 / np.sqrt(D_IN))
    b1 = jnp.zeros((D_HID,), dtype=jnp.float32)
    W2 = jax.random.normal(ks[6], (D_HID, D_OUT), dtype=jnp.float32) * (1.0 / np.sqrt(D_HID))
    b2 = jnp.zeros((D_OUT,), dtype=jnp.float32)
    return {"x": x, "edge_index": edge_index, "edge_attr": edge_attr, "u": u,
            "batch": batch, "W1": W1, "b1": b1, "W2": W2, "b2": b2}


def reference(x, edge_index, edge_attr, u, batch, W1, b1, W2, b2):
    src = edge_index[0, :]
    # scatter_mean(edge_attr, src, dim=0) -> per-node mean of incident edge features
    sums = jax.ops.segment_sum(edge_attr, src, num_segments=N)
    counts = jax.ops.segment_sum(jnp.ones((E, 1), dtype=edge_attr.dtype), src, num_segments=N)
    v_e = sums / jnp.clip(counts, 1.0, None)
    comb = jnp.concatenate([x, v_e, u[batch]], axis=1)
    # FCNN: Linear -> softplus -> Linear
    h = jax.nn.softplus(comb @ W1 + b1)
    out = h @ W2 + b2
    return out

if __name__ == "__main__":
    import jax
    _d = setup_inputs()
    print(jax.jit(kernel)(*tuple(_d.values())))

</pallas_src>

<mosaic_0001>
#map = affine_map<(d0, d1) -> (0, 0)>
#map1 = affine_map<(d0, d1) -> (0, 0, 0, 0)>
#map2 = affine_map<(d0, d1) -> (0, 0, 0)>
module attributes {stable_mosaic.version = 14 : i64} {
  func.func @_sc_body(%arg0: i32, %arg1: i32, %arg2: memref<320000x16xf32, #tpu.memory_space<hbm>>, %arg3: memref<2x32x125x80xi32, #tpu.memory_space<hbm>>, %arg4: memref<2x10240x16xf32, #tpu.memory_space<hbm>>, %arg5: memref<2x10240x16xf32, #tpu.memory_space<hbm>>, %arg6: memref<2000x16xf32, #tpu.memory_space<vmem>>, %arg7: memref<125x80xi32, #tpu.memory_space<vmem>>, %arg8: memref<2000x16xf32, #tpu.memory_space<vmem>>, %arg9: memref<10240x16xf32, #tpu.memory_space<vmem_shared>>, %arg10: memref<10240x16xf32, #tpu.memory_space<vmem_shared>>, %arg11: memref<!tpu.dma_semaphore, #tpu.memory_space<semaphore_mem>>) attributes {dimension_semantics = [#tpu.dimension_semantics<core_parallel>, #tpu.dimension_semantics<subcore_parallel>], iteration_bounds = array<i64: 2, 16>, scalar_prefetch = 0 : i64, scratch_operands = 6 : i64, tpu.core_type = #tpu.core_type<sc_vector_subcore>, window_params = [{transform_indices = #map}, {transform_indices = #map1}, {transform_indices = #map2}, {transform_indices = #map2}]} {
    %mul3A = arith.constant 2 : i32
    %mul3A_0 = arith.muli %arg1, %mul3A : i32
    %add3A = arith.addi %mul3A_0, %arg0 : i32
    %scan3A = arith.constant 0 : i32
    %scan3A_1 = arith.constant 0 : i32
    %scan3A_2 = arith.constant 640 : i32
    %scan3A_3 = arith.addi %scan3A_1, %scan3A_2 : i32
    %scan3A_4 = arith.constant 1 : i32
    %scan3A_5 = scf.for %scan3A_187 = %scan3A_1 to %scan3A_3 step %scan3A_4 iter_args(%scan3A_188 = %scan3A) -> (i32)  : i32 {
      %broadcast_in_dim3A = arith.constant 0.000000e+00 : f32
      %broadcast_in_dim3A_189 = vector.broadcast %broadcast_in_dim3A : f32 to vector<16xf32>
      %swap3A = arith.index_cast %scan3A_187 : i32 to index
      %swap3A_190 = arith.constant 0 : index
      %swap3A_191 = tpu.vector_load %arg8[%swap3A, %swap3A_190] {strides = array<i32>} : memref<2000x16xf32, #tpu.memory_space<vmem>>, vector<16xf32>,
      tpu.vector_store %arg8[%swap3A, %swap3A_190], %broadcast_in_dim3A_189 {strides = array<i32>} : memref<2000x16xf32, #tpu.memory_space<vmem>>, vector<16xf32>,
      %scan3A_192 = arith.constant 0 : i32
      scf.yield %scan3A_192 : i32
    }
    %scan3A_6 = arith.constant 640 : i32
    %mul3A_7 = arith.constant 640 : i32
    %mul3A_8 = arith.muli %arg1, %mul3A_7 : i32
    "tpu.region"() ({
      %run_scoped3A_187 = tpu.sem_alloc : memref<!tpu.dma_semaphore, #tpu.memory_space<semaphore_mem>>
      %dma_start3A = arith.constant 0 : i32
      %dma_start3A_188 = arith.constant 0 : i32
      %dma_start3A_189 = tpu.memref_slice %arg8[%dma_start3A, %dma_start3A_188] : memref<2000x16xf32, #tpu.memory_space<vmem>> -> memref<640x16xf32, #tpu.memory_space<vmem>>
      %dma_start3A_190 = arith.constant 0 : i32
      %dma_start3A_191 = tpu.memref_slice %arg9[%mul3A_8, %dma_start3A_190] : memref<10240x16xf32, #tpu.memory_space<vmem_shared>> -> memref<640x16xf32, #tpu.memory_space<vmem_shared>>
      %dma_start3A_192 = arith.constant 0 : i32
      %dma_start3A_193 = tpu.memref_slice %arg9[%mul3A_8, %dma_start3A_192] : memref<10240x16xf32, #tpu.memory_space<vmem_shared>> -> memref<640x16xf32, #tpu.memory_space<vmem_shared>>
      %dma_start3A_194 = arith.constant 0 : i32
      %dma_start3A_195 = arith.constant 0 : i32
      %dma_start3A_196 = tpu.memref_slice %arg8[%dma_start3A_194, %dma_start3A_195] : memref<2000x16xf32, #tpu.memory_space<vmem>> -> memref<640x16xf32, #tpu.memory_space<vmem>>
      tpu.enqueue_dma source(%dma_start3A_196 : memref<640x16xf32, #tpu.memory_space<vmem>>) target(%dma_start3A_193 : memref<640x16xf32, #tpu.memory_space<vmem_shared>>) target_semaphore(%run_scoped3A_187 : memref<!tpu.dma_semaphore, #tpu.memory_space<semaphore_mem>>)
      %dma_wait3A = arith.constant 0 : i32
      %dma_wait3A_197 = arith.constant 0 : i32
      %dma_wait3A_198 = tpu.memref_slice %arg8[%dma_wait3A, %dma_wait3A_197] : memref<2000x16xf32, #tpu.memory_space<vmem>> -> memref<640x16xf32, #tpu.memory_space<vmem>>
      %dma_wait3A_199 = arith.constant 0 : i32
      %dma_wait3A_200 = tpu.memref_slice %arg9[%mul3A_8, %dma_wait3A_199] : memref<10240x16xf32, #tpu.memory_space<vmem_shared>> -> memref<640x16xf32, #tpu.memory_space<vmem_shared>>
      %dma_wait3A_201 = arith.constant 0 : i32
      %dma_wait3A_202 = tpu.memref_slice %arg9[%mul3A_8, %dma_wait3A_201] : memref<10240x16xf32, #tpu.memory_space<vmem_shared>> -> memref<640x16xf32, #tpu.memory_space<vmem_shared>>
      %dma_wait3A_203 = arith.constant 0 : i32
      %dma_wait3A_204 = arith.constant 0 : i32
      %dma_wait3A_205 = tpu.memref_slice %arg8[%dma_wait3A_203, %dma_wait3A_204] : memref<2000x16xf32, #tpu.memory_space<vmem>> -> memref<640x16xf32, #tpu.memory_space<vmem>>
      tpu.wait_dma2 semaphore(%run_scoped3A_187 : memref<!tpu.dma_semaphore, #tpu.memory_space<semaphore_mem>>) src(%dma_wait3A_205 : memref<640x16xf32, #tpu.memory_space<vmem>>) dst(%dma_wait3A_202 : memref<640x16xf32, #tpu.memory_space<vmem_shared>>)
      tpu.yield
    }) : () -> ()
    %mul3A_9 = arith.constant 640 : i32
    %mul3A_10 = arith.muli %arg1, %mul3A_9 : i32
    "tpu.region"() ({
      %run_scoped3A_187 = tpu.sem_alloc : memref<!tpu.dma_semaphore, #tpu.memory_space<semaphore_mem>>
      %dma_start3A = arith.constant 0 : i32
      %dma_start3A_188 = arith.constant 0 : i32
      %dma_start3A_189 = tpu.memref_slice %arg8[%dma_start3A, %dma_start3A_188] : memref<2000x16xf32, #tpu.memory_space<vmem>> -> memref<640x16xf32, #tpu.memory_space<vmem>>
      %dma_start3A_190 = arith.constant 0 : i32
      %dma_start3A_191 = tpu.memref_slice %arg10[%mul3A_10, %dma_start3A_190] : memref<10240x16xf32, #tpu.memory_space<vmem_shared>> -> memref<640x16xf32, #tpu.memory_space<vmem_shared>>
      %dma_start3A_192 = arith.constant 0 : i32
      %dma_start3A_193 = tpu.memref_slice %arg10[%mul3A_10, %dma_start3A_192] : memref<10240x16xf32, #tpu.memory_space<vmem_shared>> -> memref<640x16xf32, #tpu.memory_space<vmem_shared>>
      %dma_start3A_194 = arith.constant 0 : i32
      %dma_start3A_195 = arith.constant 0 : i32
      %dma_start3A_196 = tpu.memref_slice %arg8[%dma_start3A_194, %dma_start3A_195] : memref<2000x16xf32, #tpu.memory_space<vmem>> -> memref<640x16xf32, #tpu.memory_space<vmem>>
      tpu.enqueue_dma source(%dma_start3A_196 : memref<640x16xf32, #tpu.memory_space<vmem>>) target(%dma_start3A_193 : memref<640x16xf32, #tpu.memory_space<vmem_shared>>) target_semaphore(%run_scoped3A_187 : memref<!tpu.dma_semaphore, #tpu.memory_space<semaphore_mem>>)
      %dma_wait3A = arith.constant 0 : i32
      %dma_wait3A_197 = arith.constant 0 : i32
      %dma_wait3A_198 = tpu.memref_slice %arg8[%dma_wait3A, %dma_wait3A_197] : memref<2000x16xf32, #tpu.memory_space<vmem>> -> memref<640x16xf32, #tpu.memory_space<vmem>>
      %dma_wait3A_199 = arith.constant 0 : i32
      %dma_wait3A_200 = tpu.memref_slice %arg10[%mul3A_10, %dma_wait3A_199] : memref<10240x16xf32, #tpu.memory_space<vmem_shared>> -> memref<640x16xf32, #tpu.memory_space<vmem_shared>>
      %dma_wait3A_201 = arith.constant 0 : i32
      %dma_wait3A_202 = tpu.memref_slice %arg10[%mul3A_10, %dma_wait3A_201] : memref<10240x16xf32, #tpu.memory_space<vmem_shared>> -> memref<640x16xf32, #tpu.memory_space<vmem_shared>>
      %dma_wait3A_203 = arith.constant 0 : i32
      %dma_wait3A_204 = arith.constant 0 : i32
      %dma_wait3A_205 = tpu.memref_slice %arg8[%dma_wait3A_203, %dma_wait3A_204] : memref<2000x16xf32, #tpu.memory_space<vmem>> -> memref<640x16xf32, #tpu.memory_space<vmem>>
      tpu.wait_dma2 semaphore(%run_scoped3A_187 : memref<!tpu.dma_semaphore, #tpu.memory_space<semaphore_mem>>) src(%dma_wait3A_205 : memref<640x16xf32, #tpu.memory_space<vmem>>) dst(%dma_wait3A_202 : memref<640x16xf32, #tpu.memory_space<vmem_shared>>)
      tpu.yield
    }) : () -> ()
    %scan3A_11 = arith.constant 0 : i32
    %scan3A_12 = arith.constant 0 : i32
    %scan3A_13 = arith.constant 2000 : i32
    %scan3A_14 = arith.addi %scan3A_12, %scan3A_13 : i32
    %scan3A_15 = arith.constant 1 : i32
    %scan3A_16 = scf.for %scan3A_187 = %scan3A_12 to %scan3A_14 step %scan3A_15 iter_args(%scan3A_188 = %scan3A_11) -> (i32)  : i32 {
      %broadcast_in_dim3A = arith.constant 1.000000e+00 : f32
      %broadcast_in_dim3A_189 = vector.broadcast %broadcast_in_dim3A : f32 to vector<16xf32>
      %swap3A = arith.index_cast %scan3A_187 : i32 to index
      %swap3A_190 = arith.constant 0 : index
      %swap3A_191 = tpu.vector_load %arg8[%swap3A, %swap3A_190] {strides = array<i32>} : memref<2000x16xf32, #tpu.memory_space<vmem>>, vector<16xf32>,
      tpu.vector_store %arg8[%swap3A, %swap3A_190], %broadcast_in_dim3A_189 {strides = array<i32>} : memref<2000x16xf32, #tpu.memory_space<vmem>>, vector<16xf32>,
      %scan3A_192 = arith.constant 0 : i32
      scf.yield %scan3A_192 : i32
    }
    %scan3A_17 = arith.constant 2000 : i32
    %barrier3A = arith.constant 0 : index
    tpu.barrier barrier_id(%barrier3A)
    %run_scoped3A = arith.constant 0 : i32
    "tpu.region"() ({
      %run_scoped3A_187 = tpu.sem_alloc : memref<!tpu.dma_semaphore, #tpu.memory_space<semaphore_mem>>
      %dma_start3A = arith.constant 0 : i32
      %dma_start3A_188 = arith.constant 0 : i32
      %dma_start3A_189 = tpu.memref_slice %arg3[%run_scoped3A, %add3A, %dma_start3A, %dma_start3A_188] : memref<2x32x125x80xi32, #tpu.memory_space<hbm>> -> memref<1x1x125x80xi32, #tpu.memory_space<hbm>>
      %dma_start3A_190 = tpu.memref_squeeze %dma_start3A_189 : memref<1x1x125x80xi32, #tpu.memory_space<hbm>> -> memref<125x80xi32, #tpu.memory_space<hbm>>
      %dma_start3A_191 = arith.constant 0 : i32
      %dma_start3A_192 = arith.constant 0 : i32
      %dma_start3A_193 = tpu.memref_slice %arg3[%run_scoped3A, %add3A, %dma_start3A_191, %dma_start3A_192] : memref<2x32x125x80xi32, #tpu.memory_space<hbm>> -> memref<1x1x125x80xi32, #tpu.memory_space<hbm>>
      %dma_start3A_194 = tpu.memref_squeeze %dma_start3A_193 : memref<1x1x125x80xi32, #tpu.memory_space<hbm>> -> memref<125x80xi32, #tpu.memory_space<hbm>>
      tpu.enqueue_dma source(%dma_start3A_194 : memref<125x80xi32, #tpu.memory_space<hbm>>) target(%arg7 : memref<125x80xi32, #tpu.memory_space<vmem>>) target_semaphore(%run_scoped3A_187 : memref<!tpu.dma_semaphore, #tpu.memory_space<semaphore_mem>>)
      %dma_wait3A = arith.constant 0 : i32
      %dma_wait3A_195 = arith.constant 0 : i32
      %dma_wait3A_196 = tpu.memref_slice %arg3[%run_scoped3A, %add3A, %dma_wait3A, %dma_wait3A_195] : memref<2x32x125x80xi32, #tpu.memory_space<hbm>> -> memref<1x1x125x80xi32, #tpu.memory_space<hbm>>
      %dma_wait3A_197 = tpu.memref_squeeze %dma_wait3A_196 : memref<1x1x125x80xi32, #tpu.memory_space<hbm>> -> memref<125x80xi32, #tpu.memory_space<hbm>>
      %dma_wait3A_198 = arith.constant 0 : i32
      %dma_wait3A_199 = arith.constant 0 : i32
      %dma_wait3A_200 = tpu.memref_slice %arg3[%run_scoped3A, %add3A, %dma_wait3A_198, %dma_wait3A_199] : memref<2x32x125x80xi32, #tpu.memory_space<hbm>> -> memref<1x1x125x80xi32, #tpu.memory_space<hbm>>
      %dma_wait3A_201 = tpu.memref_squeeze %dma_wait3A_200 : memref<1x1x125x80xi32, #tpu.memory_space<hbm>> -> memref<125x80xi32, #tpu.memory_space<hbm>>
      tpu.wait_dma2 semaphore(%run_scoped3A_187 : memref<!tpu.dma_semaphore, #tpu.memory_space<semaphore_mem>>) src(%dma_wait3A_201 : memref<125x80xi32, #tpu.memory_space<hbm>>) dst(%arg7 : memref<125x80xi32, #tpu.memory_space<vmem>>)
      tpu.yield
    }) : () -> ()
    %mul3A_18 = arith.constant 10000 : i32
    %mul3A_19 = arith.muli %add3A, %mul3A_18 : i32
    %add3A_20 = arith.constant 0 : i32
    %add3A_21 = arith.addi %mul3A_19, %add3A_20 : i32
    "tpu.region"() ({
      %run_scoped3A_187 = tpu.sem_alloc : memref<!tpu.dma_semaphore, #tpu.memory_space<semaphore_mem>>
      %dma_start3A = arith.constant 0 : i32
      %dma_start3A_188 = tpu.memref_slice %arg2[%add3A_21, %dma_start3A] : memref<320000x16xf32, #tpu.memory_space<hbm>> -> memref<2000x16xf32, #tpu.memory_space<hbm>>
      %dma_start3A_189 = arith.constant 0 : i32
      %dma_start3A_190 = tpu.memref_slice %arg2[%add3A_21, %dma_start3A_189] : memref<320000x16xf32, #tpu.memory_space<hbm>> -> memref<2000x16xf32, #tpu.memory_space<hbm>>
      tpu.enqueue_dma source(%dma_start3A_190 : memref<2000x16xf32, #tpu.memory_space<hbm>>) target(%arg6 : memref<2000x16xf32, #tpu.memory_space<vmem>>) target_semaphore(%run_scoped3A_187 : memref<!tpu.dma_semaphore, #tpu.memory_space<semaphore_mem>>)
      %dma_wait3A = arith.constant 0 : i32
      %dma_wait3A_191 = tpu.memref_slice %arg2[%add3A_21, %dma_wait3A] : memref<320000x16xf32, #tpu.memory_space<hbm>> -> memref<2000x16xf32, #tpu.memory_space<hbm>>
      %dma_wait3A_192 = arith.constant 0 : i32
      %dma_wait3A_193 = tpu.memref_slice %arg2[%add3A_21, %dma_wait3A_192] : memref<320000x16xf32, #tpu.memory_space<hbm>> -> memref<2000x16xf32, #tpu.memory_space<hbm>>
      tpu.wait_dma2 semaphore(%run_scoped3A_187 : memref<!tpu.dma_semaphore, #tpu.memory_space<semaphore_mem>>) src(%dma_wait3A_193 : memref<2000x16xf32, #tpu.memory_space<hbm>>) dst(%arg6 : memref<2000x16xf32, #tpu.memory_space<vmem>>)
      tpu.yield
    }) : () -> ()
    %scan3A_22 = arith.constant 0 : i32
    %scan3A_23 = arith.constant 0 : i32
    %scan3A_24 = arith.constant 25 : i32
    %scan3A_25 = arith.addi %scan3A_23, %scan3A_24 : i32
    %scan3A_26 = arith.constant 1 : i32
    %scan3A_27 = scf.for %scan3A_187 = %scan3A_23 to %scan3A_25 step %scan3A_26 iter_args(%scan3A_188 = %scan3A_22) -> (i32)  : i32 {
      %mul3A_189 = arith.constant 80 : i32
      %mul3A_190 = arith.muli %scan3A_187, %mul3A_189 : i32
      %add3A_191 = arith.constant 0 : i32
      %add3A_192 = arith.addi %add3A_191, %scan3A_187 : i32
      %dma_start3A = arith.constant 0 : i32
      %dma_start3A_193 = tpu.memref_slice %arg6[%mul3A_190, %dma_start3A] : memref<2000x16xf32, #tpu.memory_space<vmem>> -> memref<80x16xf32, #tpu.memory_space<vmem>>
      %dma_start3A_194 = arith.constant 0 : i32
      %dma_start3A_195 = tpu.memref_slice %arg7[%add3A_192, %dma_start3A_194] : memref<125x80xi32, #tpu.memory_space<vmem>> -> memref<1x80xi32, #tpu.memory_space<vmem>>
      %dma_start3A_196 = tpu.memref_squeeze %dma_start3A_195 : memref<1x80xi32, #tpu.memory_space<vmem>> -> memref<80xi32, #tpu.memory_space<vmem>>
      %dma_start3A_197 = arith.constant 0 : i32
      %dma_start3A_198 = arith.constant 0 : i32
      %dma_start3A_199 = tpu.memref_slice %arg9[%dma_start3A_197, %dma_start3A_198] : memref<10240x16xf32, #tpu.memory_space<vmem_shared>> -> memref<10240x16xf32, #tpu.memory_space<vmem_shared>>
      tpu.enqueue_indirect_dma source(%dma_start3A_193 : memref<80x16xf32, #tpu.memory_space<vmem>>) target(%dma_start3A_199 : memref<10240x16xf32, #tpu.memory_space<vmem_shared>>) offsets(%dma_start3A_196 : memref<80xi32, #tpu.memory_space<vmem>>) semaphore(%arg11 : memref<!tpu.dma_semaphore, #tpu.memory_space<semaphore_mem>>) {add = true}
      %scan3A_200 = arith.constant 0 : i32
      scf.yield %scan3A_200 : i32
    }
    %scan3A_28 = arith.constant 25 : i32
    %scan3A_29 = arith.constant 0 : i32
    %scan3A_30 = arith.constant 0 : i32
    %scan3A_31 = arith.constant 25 : i32
    %scan3A_32 = arith.addi %scan3A_30, %scan3A_31 : i32
    %scan3A_33 = arith.constant 1 : i32
    %scan3A_34 = scf.for %scan3A_187 = %scan3A_30 to %scan3A_32 step %scan3A_33 iter_args(%scan3A_188 = %scan3A_29) -> (i32)  : i32 {
      %mul3A_189 = arith.constant 80 : i32
      %mul3A_190 = arith.muli %scan3A_187, %mul3A_189 : i32
      %add3A_191 = arith.constant 0 : i32
      %add3A_192 = arith.addi %add3A_191, %scan3A_187 : i32
      %dma_wait3A = arith.constant 0 : i32
      %dma_wait3A_193 = tpu.memref_slice %arg6[%mul3A_190, %dma_wait3A] : memref<2000x16xf32, #tpu.memory_space<vmem>> -> memref<80x16xf32, #tpu.memory_space<vmem>>
      %dma_wait3A_194 = arith.constant 0 : i32
      %dma_wait3A_195 = tpu.memref_slice %arg7[%add3A_192, %dma_wait3A_194] : memref<125x80xi32, #tpu.memory_space<vmem>> -> memref<1x80xi32, #tpu.memory_space<vmem>>
      %dma_wait3A_196 = tpu.memref_squeeze %dma_wait3A_195 : memref<1x80xi32, #tpu.memory_space<vmem>> -> memref<80xi32, #tpu.memory_space<vmem>>
      %dma_wait3A_197 = arith.constant 0 : i32
      %dma_wait3A_198 = arith.constant 0 : i32
      %dma_wait3A_199 = tpu.memref_slice %arg9[%dma_wait3A_197, %dma_wait3A_198] : memref<10240x16xf32, #tpu.memory_space<vmem_shared>> -> memref<10240x16xf32, #tpu.memory_space<vmem_shared>>
      tpu.wait_indirect_dma semaphore(%arg11 : memref<!tpu.dma_semaphore, #tpu.memory_space<semaphore_mem>>) src(%dma_wait3A_193 : memref<80x16xf32, #tpu.memory_space<vmem>>) dst(%dma_wait3A_199 : memref<10240x16xf32, #tpu.memory_space<vmem_shared>>)
      %scan3A_200 = arith.constant 0 : i32
      scf.yield %scan3A_200 : i32
    }
    %scan3A_35 = arith.constant 25 : i32
    %scan3A_36 = arith.constant 0 : i32
    %scan3A_37 = arith.constant 0 : i32
    %scan3A_38 = arith.constant 25 : i32
    %scan3A_39 = arith.addi %scan3A_37, %scan3A_38 : i32
    %scan3A_40 = arith.constant 1 : i32
    %scan3A_41 = scf.for %scan3A_187 = %scan3A_37 to %scan3A_39 step %scan3A_40 iter_args(%scan3A_188 = %scan3A_36) -> (i32)  : i32 {
      %mul3A_189 = arith.constant 80 : i32
      %mul3A_190 = arith.muli %scan3A_187, %mul3A_189 : i32
      %add3A_191 = arith.constant 0 : i32
      %add3A_192 = arith.addi %add3A_191, %scan3A_187 : i32
      %dma_start3A = arith.constant 0 : i32
      %dma_start3A_193 = tpu.memref_slice %arg8[%mul3A_190, %dma_start3A] : memref<2000x16xf32, #tpu.memory_space<vmem>> -> memref<80x16xf32, #tpu.memory_space<vmem>>
      %dma_start3A_194 = arith.constant 0 : i32
      %dma_start3A_195 = tpu.memref_slice %arg7[%add3A_192, %dma_start3A_194] : memref<125x80xi32, #tpu.memory_space<vmem>> -> memref<1x80xi32, #tpu.memory_space<vmem>>
      %dma_start3A_196 = tpu.memref_squeeze %dma_start3A_195 : memref<1x80xi32, #tpu.memory_space<vmem>> -> memref<80xi32, #tpu.memory_space<vmem>>
      %dma_start3A_197 = arith.constant 0 : i32
      %dma_start3A_198 = arith.constant 0 : i32
      %dma_start3A_199 = tpu.memref_slice %arg10[%dma_start3A_197, %dma_start3A_198] : memref<10240x16xf32, #tpu.memory_space<vmem_shared>> -> memref<10240x16xf32, #tpu.memory_space<vmem_shared>>
      tpu.enqueue_indirect_dma source(%dma_start3A_193 : memref<80x16xf32, #tpu.memory_space<vmem>>) target(%dma_start3A_199 : memref<10240x16xf32, #tpu.memory_space<vmem_shared>>) offsets(%dma_start3A_196 : memref<80xi32, #tpu.memory_space<vmem>>) semaphore(%arg11 : memref<!tpu.dma_semaphore, #tpu.memory_space<semaphore_mem>>) {add = true}
      %scan3A_200 = arith.constant 0 : i32
      scf.yield %scan3A_200 : i32
    }
    %scan3A_42 = arith.constant 25 : i32
    %scan3A_43 = arith.constant 0 : i32
    %scan3A_44 = arith.constant 0 : i32
    %scan3A_45 = arith.constant 25 : i32
    %scan3A_46 = arith.addi %scan3A_44, %scan3A_45 : i32
    %scan3A_47 = arith.constant 1 : i32
    %scan3A_48 = scf.for %scan3A_187 = %scan3A_44 to %scan3A_46 step %scan3A_47 iter_args(%scan3A_188 = %scan3A_43) -> (i32)  : i32 {
      %mul3A_189 = arith.constant 80 : i32
      %mul3A_190 = arith.muli %scan3A_187, %mul3A_189 : i32
      %add3A_191 = arith.constant 0 : i32
      %add3A_192 = arith.addi %add3A_191, %scan3A_187 : i32
      %dma_wait3A = arith.constant 0 : i32
      %dma_wait3A_193 = tpu.memref_slice %arg8[%mul3A_190, %dma_wait3A] : memref<2000x16xf32, #tpu.memory_space<vmem>> -> memref<80x16xf32, #tpu.memory_space<vmem>>
      %dma_wait3A_194 = arith.constant 0 : i32
      %dma_wait3A_195 = tpu.memref_slice %arg7[%add3A_192, %dma_wait3A_194] : memref<125x80xi32, #tpu.memory_space<vmem>> -> memref<1x80xi32, #tpu.memory_space<vmem>>
      %dma_wait3A_196 = tpu.memref_squeeze %dma_wait3A_195 : memref<1x80xi32, #tpu.memory_space<vmem>> -> memref<80xi32, #tpu.memory_space<vmem>>
      %dma_wait3A_197 = arith.constant 0 : i32
      %dma_wait3A_198 = arith.constant 0 : i32
      %dma_wait3A_199 = tpu.memref_slice %arg10[%dma_wait3A_197, %dma_wait3A_198] : memref<10240x16xf32, #tpu.memory_space<vmem_shared>> -> memref<10240x16xf32, #tpu.memory_space<vmem_shared>>
      tpu.wait_indirect_dma semaphore(%arg11 : memref<!tpu.dma_semaphore, #tpu.memory_space<semaphore_mem>>) src(%dma_wait3A_193 : memref<80x16xf32, #tpu.memory_space<vmem>>) dst(%dma_wait3A_199 : memref<10240x16xf32, #tpu.memory_space<vmem_shared>>)
      %scan3A_200 = arith.constant 0 : i32
      scf.yield %scan3A_200 : i32
    }
    %scan3A_49 = arith.constant 25 : i32
    %mul3A_50 = arith.constant 10000 : i32
    %mul3A_51 = arith.muli %add3A, %mul3A_50 : i32
    %add3A_52 = arith.constant 2000 : i32
    %add3A_53 = arith.addi %mul3A_51, %add3A_52 : i32
    "tpu.region"() ({
      %run_scoped3A_187 = tpu.sem_alloc : memref<!tpu.dma_semaphore, #tpu.memory_space<semaphore_mem>>
      %dma_start3A = arith.constant 0 : i32
      %dma_start3A_188 = tpu.memref_slice %arg2[%add3A_53, %dma_start3A] : memref<320000x16xf32, #tpu.memory_space<hbm>> -> memref<2000x16xf32, #tpu.memory_space<hbm>>
      %dma_start3A_189 = arith.constant 0 : i32
      %dma_start3A_190 = tpu.memref_slice %arg2[%add3A_53, %dma_start3A_189] : memref<320000x16xf32, #tpu.memory_space<hbm>> -> memref<2000x16xf32, #tpu.memory_space<hbm>>
      tpu.enqueue_dma source(%dma_start3A_190 : memref<2000x16xf32, #tpu.memory_space<hbm>>) target(%arg6 : memref<2000x16xf32, #tpu.memory_space<vmem>>) target_semaphore(%run_scoped3A_187 : memref<!tpu.dma_semaphore, #tpu.memory_space<semaphore_mem>>)
      %dma_wait3A = arith.constant 0 : i32
      %dma_wait3A_191 = tpu.memref_slice %arg2[%add3A_53, %dma_wait3A] : memref<320000x16xf32, #tpu.memory_space<hbm>> -> memref<2000x16xf32, #tpu.memory_space<hbm>>
      %dma_wait3A_192 = arith.constant 0 : i32
      %dma_wait3A_193 = tpu.memref_slice %arg2[%add3A_53, %dma_wait3A_192] : memref<320000x16xf32, #tpu.memory_space<hbm>> -> memref<2000x16xf32, #tpu.memory_space<hbm>>
      tpu.wait_dma2 semaphore(%run_scoped3A_187 : memref<!tpu.dma_semaphore, #tpu.memory_space<semaphore_mem>>) src(%dma_wait3A_193 : memref<2000x16xf32, #tpu.memory_space<hbm>>) dst(%arg6 : memref<2000x16xf32, #tpu.memory_space<vmem>>)
      tpu.yield
    }) : () -> ()
    %scan3A_54 = arith.constant 0 : i32
    %scan3A_55 = arith.constant 0 : i32
    %scan3A_56 = arith.constant 25 : i32
    %scan3A_57 = arith.addi %scan3A_55, %scan3A_56 : i32
    %scan3A_58 = arith.constant 1 : i32
    %scan3A_59 = scf.for %scan3A_187 = %scan3A_55 to %scan3A_57 step %scan3A_58 iter_args(%scan3A_188 = %scan3A_54) -> (i32)  : i32 {
      %mul3A_189 = arith.constant 80 : i32
      %mul3A_190 = arith.muli %scan3A_187, %mul3A_189 : i32
      %add3A_191 = arith.constant 25 : i32
      %add3A_192 = arith.addi %add3A_191, %scan3A_187 : i32
      %dma_start3A = arith.constant 0 : i32
      %dma_start3A_193 = tpu.memref_slice %arg6[%mul3A_190, %dma_start3A] : memref<2000x16xf32, #tpu.memory_space<vmem>> -> memref<80x16xf32, #tpu.memory_space<vmem>>
      %dma_start3A_194 = arith.constant 0 : i32
      %dma_start3A_195 = tpu.memref_slice %arg7[%add3A_192, %dma_start3A_194] : memref<125x80xi32, #tpu.memory_space<vmem>> -> memref<1x80xi32, #tpu.memory_space<vmem>>
      %dma_start3A_196 = tpu.memref_squeeze %dma_start3A_195 : memref<1x80xi32, #tpu.memory_space<vmem>> -> memref<80xi32, #tpu.memory_space<vmem>>
      %dma_start3A_197 = arith.constant 0 : i32
      %dma_start3A_198 = arith.constant 0 : i32
      %dma_start3A_199 = tpu.memref_slice %arg9[%dma_start3A_197, %dma_start3A_198] : memref<10240x16xf32, #tpu.memory_space<vmem_shared>> -> memref<10240x16xf32, #tpu.memory_space<vmem_shared>>
      tpu.enqueue_indirect_dma source(%dma_start3A_193 : memref<80x16xf32, #tpu.memory_space<vmem>>) target(%dma_start3A_199 : memref<10240x16xf32, #tpu.memory_space<vmem_shared>>) offsets(%dma_start3A_196 : memref<80xi32, #tpu.memory_space<vmem>>) semaphore(%arg11 : memref<!tpu.dma_semaphore, #tpu.memory_space<semaphore_mem>>) {add = true}
      %scan3A_200 = arith.constant 0 : i32
      scf.yield %scan3A_200 : i32
    }
    %scan3A_60 = arith.constant 25 : i32
    %scan3A_61 = arith.constant 0 : i32
    %scan3A_62 = arith.constant 0 : i32
    %scan3A_63 = arith.constant 25 : i32
    %scan3A_64 = arith.addi %scan3A_62, %scan3A_63 : i32
    %scan3A_65 = arith.constant 1 : i32
    %scan3A_66 = scf.for %scan3A_187 = %scan3A_62 to %scan3A_64 step %scan3A_65 iter_args(%scan3A_188 = %scan3A_61) -> (i32)  : i32 {
      %mul3A_189 = arith.constant 80 : i32
      %mul3A_190 = arith.muli %scan3A_187, %mul3A_189 : i32
      %add3A_191 = arith.constant 25 : i32
      %add3A_192 = arith.addi %add3A_191, %scan3A_187 : i32
      %dma_wait3A = arith.constant 0 : i32
      %dma_wait3A_193 = tpu.memref_slice %arg6[%mul3A_190, %dma_wait3A] : memref<2000x16xf32, #tpu.memory_space<vmem>> -> memref<80x16xf32, #tpu.memory_space<vmem>>
      %dma_wait3A_194 = arith.constant 0 : i32
      %dma_wait3A_195 = tpu.memref_slice %arg7[%add3A_192, %dma_wait3A_194] : memref<125x80xi32, #tpu.memory_space<vmem>> -> memref<1x80xi32, #tpu.memory_space<vmem>>
      %dma_wait3A_196 = tpu.memref_squeeze %dma_wait3A_195 : memref<1x80xi32, #tpu.memory_space<vmem>> -> memref<80xi32, #tpu.memory_space<vmem>>
      %dma_wait3A_197 = arith.constant 0 : i32
      %dma_wait3A_198 = arith.constant 0 : i32
      %dma_wait3A_199 = tpu.memref_slice %arg9[%dma_wait3A_197, %dma_wait3A_198] : memref<10240x16xf32, #tpu.memory_space<vmem_shared>> -> memref<10240x16xf32, #tpu.memory_space<vmem_shared>>
      tpu.wait_indirect_dma semaphore(%arg11 : memref<!tpu.dma_semaphore, #tpu.memory_space<semaphore_mem>>) src(%dma_wait3A_193 : memref<80x16xf32, #tpu.memory_space<vmem>>) dst(%dma_wait3A_199 : memref<10240x16xf32, #tpu.memory_space<vmem_shared>>)
      %scan3A_200 = arith.constant 0 : i32
      scf.yield %scan3A_200 : i32
    }
    %scan3A_67 = arith.constant 25 : i32
    %scan3A_68 = arith.constant 0 : i32
    %scan3A_69 = arith.constant 0 : i32
    %scan3A_70 = arith.constant 25 : i32
    %scan3A_71 = arith.addi %scan3A_69, %scan3A_70 : i32
    %scan3A_72 = arith.constant 1 : i32
    %scan3A_73 = scf.for %scan3A_187 = %scan3A_69 to %scan3A_71 step %scan3A_72 iter_args(%scan3A_188 = %scan3A_68) -> (i32)  : i32 {
      %mul3A_189 = arith.constant 80 : i32
      %mul3A_190 = arith.muli %scan3A_187, %mul3A_189 : i32
      %add3A_191 = arith.constant 25 : i32
      %add3A_192 = arith.addi %add3A_191, %scan3A_187 : i32
      %dma_start3A = arith.constant 0 : i32
      %dma_start3A_193 = tpu.memref_slice %arg8[%mul3A_190, %dma_start3A] : memref<2000x16xf32, #tpu.memory_space<vmem>> -> memref<80x16xf32, #tpu.memory_space<vmem>>
      %dma_start3A_194 = arith.constant 0 : i32
      %dma_start3A_195 = tpu.memref_slice %arg7[%add3A_192, %dma_start3A_194] : memref<125x80xi32, #tpu.memory_space<vmem>> -> memref<1x80xi32, #tpu.memory_space<vmem>>
      %dma_start3A_196 = tpu.memref_squeeze %dma_start3A_195 : memref<1x80xi32, #tpu.memory_space<vmem>> -> memref<80xi32, #tpu.memory_space<vmem>>
      %dma_start3A_197 = arith.constant 0 : i32
      %dma_start3A_198 = arith.constant 0 : i32
      %dma_start3A_199 = tpu.memref_slice %arg10[%dma_start3A_197, %dma_start3A_198] : memref<10240x16xf32, #tpu.memory_space<vmem_shared>> -> memref<10240x16xf32, #tpu.memory_space<vmem_shared>>
      tpu.enqueue_indirect_dma source(%dma_start3A_193 : memref<80x16xf32, #tpu.memory_space<vmem>>) target(%dma_start3A_199 : memref<10240x16xf32, #tpu.memory_space<vmem_shared>>) offsets(%dma_start3A_196 : memref<80xi32, #tpu.memory_space<vmem>>) semaphore(%arg11 : memref<!tpu.dma_semaphore, #tpu.memory_space<semaphore_mem>>) {add = true}
      %scan3A_200 = arith.constant 0 : i32
      scf.yield %scan3A_200 : i32
    }
    %scan3A_74 = arith.constant 25 : i32
    %scan3A_75 = arith.constant 0 : i32
    %scan3A_76 = arith.constant 0 : i32
    %scan3A_77 = arith.constant 25 : i32
    %scan3A_78 = arith.addi %scan3A_76, %scan3A_77 : i32
    %scan3A_79 = arith.constant 1 : i32
    %scan3A_80 = scf.for %scan3A_187 = %scan3A_76 to %scan3A_78 step %scan3A_79 iter_args(%scan3A_188 = %scan3A_75) -> (i32)  : i32 {
      %mul3A_189 = arith.constant 80 : i32
      %mul3A_190 = arith.muli %scan3A_187, %mul3A_189 : i32
      %add3A_191 = arith.constant 25 : i32
      %add3A_192 = arith.addi %add3A_191, %scan3A_187 : i32
      %dma_wait3A = arith.constant 0 : i32
      %dma_wait3A_193 = tpu.memref_slice %arg8[%mul3A_190, %dma_wait3A] : memref<2000x16xf32, #tpu.memory_space<vmem>> -> memref<80x16xf32, #tpu.memory_space<vmem>>
      %dma_wait3A_194 = arith.constant 0 : i32
      %dma_wait3A_195 = tpu.memref_slice %arg7[%add3A_192, %dma_wait3A_194] : memref<125x80xi32, #tpu.memory_space<vmem>> -> memref<1x80xi32, #tpu.memory_space<vmem>>
      %dma_wait3A_196 = tpu.memref_squeeze %dma_wait3A_195 : memref<1x80xi32, #tpu.memory_space<vmem>> -> memref<80xi32, #tpu.memory_space<vmem>>
      %dma_wait3A_197 = arith.constant 0 : i32
      %dma_wait3A_198 = arith.constant 0 : i32
      %dma_wait3A_199 = tpu.memref_slice %arg10[%dma_wait3A_197, %dma_wait3A_198] : memref<10240x16xf32, #tpu.memory_space<vmem_shared>> -> memref<10240x16xf32, #tpu.memory_space<vmem_shared>>
      tpu.wait_indirect_dma semaphore(%arg11 : memref<!tpu.dma_semaphore, #tpu.memory_space<semaphore_mem>>) src(%dma_wait3A_193 : memref<80x16xf32, #tpu.memory_space<vmem>>) dst(%dma_wait3A_199 : memref<10240x16xf32, #tpu.memory_space<vmem_shared>>)
      %scan3A_200 = arith.constant 0 : i32
      scf.yield %scan3A_200 : i32
    }
    %scan3A_81 = arith.constant 25 : i32
    %mul3A_82 = arith.constant 10000 : i32
    %mul3A_83 = arith.muli %add3A, %mul3A_82 : i32
    %add3A_84 = arith.constant 4000 : i32
    %add3A_85 = arith.addi %mul3A_83, %add3A_84 : i32
    "tpu.region"() ({
      %run_scoped3A_187 = tpu.sem_alloc : memref<!tpu.dma_semaphore, #tpu.memory_space<semaphore_mem>>
      %dma_start3A = arith.constant 0 : i32
      %dma_start3A_188 = tpu.memref_slice %arg2[%add3A_85, %dma_start3A] : memref<320000x16xf32, #tpu.memory_space<hbm>> -> memref<2000x16xf32, #tpu.memory_space<hbm>>
      %dma_start3A_189 = arith.constant 0 : i32
      %dma_start3A_190 = tpu.memref_slice %arg2[%add3A_85, %dma_start3A_189] : memref<320000x16xf32, #tpu.memory_space<hbm>> -> memref<2000x16xf32, #tpu.memory_space<hbm>>
      tpu.enqueue_dma source(%dma_start3A_190 : memref<2000x16xf32, #tpu.memory_space<hbm>>) target(%arg6 : memref<2000x16xf32, #tpu.memory_space<vmem>>) target_semaphore(%run_scoped3A_187 : memref<!tpu.dma_semaphore, #tpu.memory_space<semaphore_mem>>)
      %dma_wait3A = arith.constant 0 : i32
      %dma_wait3A_191 = tpu.memref_slice %arg2[%add3A_85, %dma_wait3A] : memref<320000x16xf32, #tpu.memory_space<hbm>> -> memref<2000x16xf32, #tpu.memory_space<hbm>>
      %dma_wait3A_192 = arith.constant 0 : i32
      %dma_wait3A_193 = tpu.memref_slice %arg2[%add3A_85, %dma_wait3A_192] : memref<320000x16xf32, #tpu.memory_space<hbm>> -> memref<2000x16xf32, #tpu.memory_space<hbm>>
      tpu.wait_dma2 semaphore(%run_scoped3A_187 : memref<!tpu.dma_semaphore, #tpu.memory_space<semaphore_mem>>) src(%dma_wait3A_193 : memref<2000x16xf32, #tpu.memory_space<hbm>>) dst(%arg6 : memref<2000x16xf32, #tpu.memory_space<vmem>>)
      tpu.yield
    }) : () -> ()
    %scan3A_86 = arith.constant 0 : i32
    %scan3A_87 = arith.constant 0 : i32
    %scan3A_88 = arith.constant 25 : i32
    %scan3A_89 = arith.addi %scan3A_87, %scan3A_88 : i32
    %scan3A_90 = arith.constant 1 : i32
    %scan3A_91 = scf.for %scan3A_187 = %scan3A_87 to %scan3A_89 step %scan3A_90 iter_args(%scan3A_188 = %scan3A_86) -> (i32)  : i32 {
      %mul3A_189 = arith.constant 80 : i32
      %mul3A_190 = arith.muli %scan3A_187, %mul3A_189 : i32
      %add3A_191 = arith.constant 50 : i32
      %add3A_192 = arith.addi %add3A_191, %scan3A_187 : i32
      %dma_start3A = arith.constant 0 : i32
      %dma_start3A_193 = tpu.memref_slice %arg6[%mul3A_190, %dma_start3A] : memref<2000x16xf32, #tpu.memory_space<vmem>> -> memref<80x16xf32, #tpu.memory_space<vmem>>
      %dma_start3A_194 = arith.constant 0 : i32
      %dma_start3A_195 = tpu.memref_slice %arg7[%add3A_192, %dma_start3A_194] : memref<125x80xi32, #tpu.memory_space<vmem>> -> memref<1x80xi32, #tpu.memory_space<vmem>>
      %dma_start3A_196 = tpu.memref_squeeze %dma_start3A_195 : memref<1x80xi32, #tpu.memory_space<vmem>> -> memref<80xi32, #tpu.memory_space<vmem>>
      %dma_start3A_197 = arith.constant 0 : i32
      %dma_start3A_198 = arith.constant 0 : i32
      %dma_start3A_199 = tpu.memref_slice %arg9[%dma_start3A_197, %dma_start3A_198] : memref<10240x16xf32, #tpu.memory_space<vmem_shared>> -> memref<10240x16xf32, #tpu.memory_space<vmem_shared>>
      tpu.enqueue_indirect_dma source(%dma_start3A_193 : memref<80x16xf32, #tpu.memory_space<vmem>>) target(%dma_start3A_199 : memref<10240x16xf32, #tpu.memory_space<vmem_shared>>) offsets(%dma_start3A_196 : memref<80xi32, #tpu.memory_space<vmem>>) semaphore(%arg11 : memref<!tpu.dma_semaphore, #tpu.memory_space<semaphore_mem>>) {add = true}
      %scan3A_200 = arith.constant 0 : i32
      scf.yield %scan3A_200 : i32
    }
    %scan3A_92 = arith.constant 25 : i32
    %scan3A_93 = arith.constant 0 : i32
    %scan3A_94 = arith.constant 0 : i32
    %scan3A_95 = arith.constant 25 : i32
    %scan3A_96 = arith.addi %scan3A_94, %scan3A_95 : i32
    %scan3A_97 = arith.constant 1 : i32
    %scan3A_98 = scf.for %scan3A_187 = %scan3A_94 to %scan3A_96 step %scan3A_97 iter_args(%scan3A_188 = %scan3A_93) -> (i32)  : i32 {
      %mul3A_189 = arith.constant 80 : i32
      %mul3A_190 = arith.muli %scan3A_187, %mul3A_189 : i32
      %add3A_191 = arith.constant 50 : i32
      %add3A_192 = arith.addi %add3A_191, %scan3A_187 : i32
      %dma_wait3A = arith.constant 0 : i32
      %dma_wait3A_193 = tpu.memref_slice %arg6[%mul3A_190, %dma_wait3A] : memref<2000x16xf32, #tpu.memory_space<vmem>> -> memref<80x16xf32, #tpu.memory_space<vmem>>
      %dma_wait3A_194 = arith.constant 0 : i32
      %dma_wait3A_195 = tpu.memref_slice %arg7[%add3A_192, %dma_wait3A_194] : memref<125x80xi32, #tpu.memory_space<vmem>> -> memref<1x80xi32, #tpu.memory_space<vmem>>
      %dma_wait3A_196 = tpu.memref_squeeze %dma_wait3A_195 : memref<1x80xi32, #tpu.memory_space<vmem>> -> memref<80xi32, #tpu.memory_space<vmem>>
      %dma_wait3A_197 = arith.constant 0 : i32
      %dma_wait3A_198 = arith.constant 0 : i32
      %dma_wait3A_199 = tpu.memref_slice %arg9[%dma_wait3A_197, %dma_wait3A_198] : memref<10240x16xf32, #tpu.memory_space<vmem_shared>> -> memref<10240x16xf32, #tpu.memory_space<vmem_shared>>
      tpu.wait_indirect_dma semaphore(%arg11 : memref<!tpu.dma_semaphore, #tpu.memory_space<semaphore_mem>>) src(%dma_wait3A_193 : memref<80x16xf32, #tpu.memory_space<vmem>>) dst(%dma_wait3A_199 : memref<10240x16xf32, #tpu.memory_space<vmem_shared>>)
      %scan3A_200 = arith.constant 0 : i32
      scf.yield %scan3A_200 : i32
    }
    %scan3A_99 = arith.constant 25 : i32
    %scan3A_100 = arith.constant 0 : i32
    %scan3A_101 = arith.constant 0 : i32
    %scan3A_102 = arith.constant 25 : i32
    %scan3A_103 = arith.addi %scan3A_101, %scan3A_102 : i32
    %scan3A_104 = arith.constant 1 : i32
    %scan3A_105 = scf.for %scan3A_187 = %scan3A_101 to %scan3A_103 step %scan3A_104 iter_args(%scan3A_188 = %scan3A_100) -> (i32)  : i32 {
      %mul3A_189 = arith.constant 80 : i32
      %mul3A_190 = arith.muli %scan3A_187, %mul3A_189 : i32
      %add3A_191 = arith.constant 50 : i32
      %add3A_192 = arith.addi %add3A_191, %scan3A_187 : i32
      %dma_start3A = arith.constant 0 : i32
      %dma_start3A_193 = tpu.memref_slice %arg8[%mul3A_190, %dma_start3A] : memref<2000x16xf32, #tpu.memory_space<vmem>> -> memref<80x16xf32, #tpu.memory_space<vmem>>
      %dma_start3A_194 = arith.constant 0 : i32
      %dma_start3A_195 = tpu.memref_slice %arg7[%add3A_192, %dma_start3A_194] : memref<125x80xi32, #tpu.memory_space<vmem>> -> memref<1x80xi32, #tpu.memory_space<vmem>>
      %dma_start3A_196 = tpu.memref_squeeze %dma_start3A_195 : memref<1x80xi32, #tpu.memory_space<vmem>> -> memref<80xi32, #tpu.memory_space<vmem>>
      %dma_start3A_197 = arith.constant 0 : i32
      %dma_start3A_198 = arith.constant 0 : i32
      %dma_start3A_199 = tpu.memref_slice %arg10[%dma_start3A_197, %dma_start3A_198] : memref<10240x16xf32, #tpu.memory_space<vmem_shared>> -> memref<10240x16xf32, #tpu.memory_space<vmem_shared>>
      tpu.enqueue_indirect_dma source(%dma_start3A_193 : memref<80x16xf32, #tpu.memory_space<vmem>>) target(%dma_start3A_199 : memref<10240x16xf32, #tpu.memory_space<vmem_shared>>) offsets(%dma_start3A_196 : memref<80xi32, #tpu.memory_space<vmem>>) semaphore(%arg11 : memref<!tpu.dma_semaphore, #tpu.memory_space<semaphore_mem>>) {add = true}
      %scan3A_200 = arith.constant 0 : i32
      scf.yield %scan3A_200 : i32
    }
    %scan3A_106 = arith.constant 25 : i32
    %scan3A_107 = arith.constant 0 : i32
    %scan3A_108 = arith.constant 0 : i32
    %scan3A_109 = arith.constant 25 : i32
    %scan3A_110 = arith.addi %scan3A_108, %scan3A_109 : i32
    %scan3A_111 = arith.constant 1 : i32
    %scan3A_112 = scf.for %scan3A_187 = %scan3A_108 to %scan3A_110 step %scan3A_111 iter_args(%scan3A_188 = %scan3A_107) -> (i32)  : i32 {
      %mul3A_189 = arith.constant 80 : i32
      %mul3A_190 = arith.muli %scan3A_187, %mul3A_189 : i32
      %add3A_191 = arith.constant 50 : i32
      %add3A_192 = arith.addi %add3A_191, %scan3A_187 : i32
      %dma_wait3A = arith.constant 0 : i32
      %dma_wait3A_193 = tpu.memref_slice %arg8[%mul3A_190, %dma_wait3A] : memref<2000x16xf32, #tpu.memory_space<vmem>> -> memref<80x16xf32, #tpu.memory_space<vmem>>
      %dma_wait3A_194 = arith.constant 0 : i32
      %dma_wait3A_195 = tpu.memref_slice %arg7[%add3A_192, %dma_wait3A_194] : memref<125x80xi32, #tpu.memory_space<vmem>> -> memref<1x80xi32, #tpu.memory_space<vmem>>
      %dma_wait3A_196 = tpu.memref_squeeze %dma_wait3A_195 : memref<1x80xi32, #tpu.memory_space<vmem>> -> memref<80xi32, #tpu.memory_space<vmem>>
      %dma_wait3A_197 = arith.constant 0 : i32
      %dma_wait3A_198 = arith.constant 0 : i32
      %dma_wait3A_199 = tpu.memref_slice %arg10[%dma_wait3A_197, %dma_wait3A_198] : memref<10240x16xf32, #tpu.memory_space<vmem_shared>> -> memref<10240x16xf32, #tpu.memory_space<vmem_shared>>
      tpu.wait_indirect_dma semaphore(%arg11 : memref<!tpu.dma_semaphore, #tpu.memory_space<semaphore_mem>>) src(%dma_wait3A_193 : memref<80x16xf32, #tpu.memory_space<vmem>>) dst(%dma_wait3A_199 : memref<10240x16xf32, #tpu.memory_space<vmem_shared>>)
      %scan3A_200 = arith.constant 0 : i32
      scf.yield %scan3A_200 : i32
    }
    %scan3A_113 = arith.constant 25 : i32
    %mul3A_114 = arith.constant 10000 : i32
    %mul3A_115 = arith.muli %add3A, %mul3A_114 : i32
    %add3A_116 = arith.constant 6000 : i32
    %add3A_117 = arith.addi %mul3A_115, %add3A_116 : i32
    "tpu.region"() ({
      %run_scoped3A_187 = tpu.sem_alloc : memref<!tpu.dma_semaphore, #tpu.memory_space<semaphore_mem>>
      %dma_start3A = arith.constant 0 : i32
      %dma_start3A_188 = tpu.memref_slice %arg2[%add3A_117, %dma_start3A] : memref<320000x16xf32, #tpu.memory_space<hbm>> -> memref<2000x16xf32, #tpu.memory_space<hbm>>
      %dma_start3A_189 = arith.constant 0 : i32
      %dma_start3A_190 = tpu.memref_slice %arg2[%add3A_117, %dma_start3A_189] : memref<320000x16xf32, #tpu.memory_space<hbm>> -> memref<2000x16xf32, #tpu.memory_space<hbm>>
      tpu.enqueue_dma source(%dma_start3A_190 : memref<2000x16xf32, #tpu.memory_space<hbm>>) target(%arg6 : memref<2000x16xf32, #tpu.memory_space<vmem>>) target_semaphore(%run_scoped3A_187 : memref<!tpu.dma_semaphore, #tpu.memory_space<semaphore_mem>>)
      %dma_wait3A = arith.constant 0 : i32
      %dma_wait3A_191 = tpu.memref_slice %arg2[%add3A_117, %dma_wait3A] : memref<320000x16xf32, #tpu.memory_space<hbm>> -> memref<2000x16xf32, #tpu.memory_space<hbm>>
      %dma_wait3A_192 = arith.constant 0 : i32
      %dma_wait3A_193 = tpu.memref_slice %arg2[%add3A_117, %dma_wait3A_192] : memref<320000x16xf32, #tpu.memory_space<hbm>> -> memref<2000x16xf32, #tpu.memory_space<hbm>>
      tpu.wait_dma2 semaphore(%run_scoped3A_187 : memref<!tpu.dma_semaphore, #tpu.memory_space<semaphore_mem>>) src(%dma_wait3A_193 : memref<2000x16xf32, #tpu.memory_space<hbm>>) dst(%arg6 : memref<2000x16xf32, #tpu.memory_space<vmem>>)
      tpu.yield
    }) : () -> ()
    %scan3A_118 = arith.constant 0 : i32
    %scan3A_119 = arith.constant 0 : i32
    %scan3A_120 = arith.constant 25 : i32
    %scan3A_121 = arith.addi %scan3A_119, %scan3A_120 : i32
    %scan3A_122 = arith.constant 1 : i32
    %scan3A_123 = scf.for %scan3A_187 = %scan3A_119 to %scan3A_121 step %scan3A_122 iter_args(%scan3A_188 = %scan3A_118) -> (i32)  : i32 {
      %mul3A_189 = arith.constant 80 : i32
      %mul3A_190 = arith.muli %scan3A_187, %mul3A_189 : i32
      %add3A_191 = arith.constant 75 : i32
      %add3A_192 = arith.addi %add3A_191, %scan3A_187 : i32
      %dma_start3A = arith.constant 0 : i32
      %dma_start3A_193 = tpu.memref_slice %arg6[%mul3A_190, %dma_start3A] : memref<2000x16xf32, #tpu.memory_space<vmem>> -> memref<80x16xf32, #tpu.memory_space<vmem>>
      %dma_start3A_194 = arith.constant 0 : i32
      %dma_start3A_195 = tpu.memref_slice %arg7[%add3A_192, %dma_start3A_194] : memref<125x80xi32, #tpu.memory_space<vmem>> -> memref<1x80xi32, #tpu.memory_space<vmem>>
      %dma_start3A_196 = tpu.memref_squeeze %dma_start3A_195 : memref<1x80xi32, #tpu.memory_space<vmem>> -> memref<80xi32, #tpu.memory_space<vmem>>
      %dma_start3A_197 = arith.constant 0 : i32
      %dma_start3A_198 = arith.constant 0 : i32
      %dma_start3A_199 = tpu.memref_slice %arg9[%dma_start3A_197, %dma_start3A_198] : memref<10240x16xf32, #tpu.memory_space<vmem_shared>> -> memref<10240x16xf32, #tpu.memory_space<vmem_shared>>
      tpu.enqueue_indirect_dma source(%dma_start3A_193 : memref<80x16xf32, #tpu.memory_space<vmem>>) target(%dma_start3A_199 : memref<10240x16xf32, #tpu.memory_space<vmem_shared>>) offsets(%dma_start3A_196 : memref<80xi32, #tpu.memory_space<vmem>>) semaphore(%arg11 : memref<!tpu.dma_semaphore, #tpu.memory_space<semaphore_mem>>) {add = true}
      %scan3A_200 = arith.constant 0 : i32
      scf.yield %scan3A_200 : i32
    }
    %scan3A_124 = arith.constant 25 : i32
    %scan3A_125 = arith.constant 0 : i32
    %scan3A_126 = arith.constant 0 : i32
    %scan3A_127 = arith.constant 25 : i32
    %scan3A_128 = arith.addi %scan3A_126, %scan3A_127 : i32
    %scan3A_129 = arith.constant 1 : i32
    %scan3A_130 = scf.for %scan3A_187 = %scan3A_126 to %scan3A_128 step %scan3A_129 iter_args(%scan3A_188 = %scan3A_125) -> (i32)  : i32 {
      %mul3A_189 = arith.constant 80 : i32
      %mul3A_190 = arith.muli %scan3A_187, %mul3A_189 : i32
      %add3A_191 = arith.constant 75 : i32
      %add3A_192 = arith.addi %add3A_191, %scan3A_187 : i32
      %dma_wait3A = arith.constant 0 : i32
      %dma_wait3A_193 = tpu.memref_slice %arg6[%mul3A_190, %dma_wait3A] : memref<2000x16xf32, #tpu.memory_space<vmem>> -> memref<80x16xf32, #tpu.memory_space<vmem>>
      %dma_wait3A_194 = arith.constant 0 : i32
      %dma_wait3A_195 = tpu.memref_slice %arg7[%add3A_192, %dma_wait3A_194] : memref<125x80xi32, #tpu.memory_space<vmem>> -> memref<1x80xi32, #tpu.memory_space<vmem>>
      %dma_wait3A_196 = tpu.memref_squeeze %dma_wait3A_195 : memref<1x80xi32, #tpu.memory_space<vmem>> -> memref<80xi32, #tpu.memory_space<vmem>>
      %dma_wait3A_197 = arith.constant 0 : i32
      %dma_wait3A_198 = arith.constant 0 : i32
      %dma_wait3A_199 = tpu.memref_slice %arg9[%dma_wait3A_197, %dma_wait3A_198] : memref<10240x16xf32, #tpu.memory_space<vmem_shared>> -> memref<10240x16xf32, #tpu.memory_space<vmem_shared>>
      tpu.wait_indirect_dma semaphore(%arg11 : memref<!tpu.dma_semaphore, #tpu.memory_space<semaphore_mem>>) src(%dma_wait3A_193 : memref<80x16xf32, #tpu.memory_space<vmem>>) dst(%dma_wait3A_199 : memref<10240x16xf32, #tpu.memory_space<vmem_shared>>)
      %scan3A_200 = arith.constant 0 : i32
      scf.yield %scan3A_200 : i32
    }
    %scan3A_131 = arith.constant 25 : i32
    %scan3A_132 = arith.constant 0 : i32
    %scan3A_133 = arith.constant 0 : i32
    %scan3A_134 = arith.constant 25 : i32
    %scan3A_135 = arith.addi %scan3A_133, %scan3A_134 : i32
    %scan3A_136 = arith.constant 1 : i32
    %scan3A_137 = scf.for %scan3A_187 = %scan3A_133 to %scan3A_135 step %scan3A_136 iter_args(%scan3A_188 = %scan3A_132) -> (i32)  : i32 {
      %mul3A_189 = arith.constant 80 : i32
      %mul3A_190 = arith.muli %scan3A_187, %mul3A_189 : i32
      %add3A_191 = arith.constant 75 : i32
      %add3A_192 = arith.addi %add3A_191, %scan3A_187 : i32
      %dma_start3A = arith.constant 0 : i32
      %dma_start3A_193 = tpu.memref_slice %arg8[%mul3A_190, %dma_start3A] : memref<2000x16xf32, #tpu.memory_space<vmem>> -> memref<80x16xf32, #tpu.memory_space<vmem>>
      %dma_start3A_194 = arith.constant 0 : i32
      %dma_start3A_195 = tpu.memref_slice %arg7[%add3A_192, %dma_start3A_194] : memref<125x80xi32, #tpu.memory_space<vmem>> -> memref<1x80xi32, #tpu.memory_space<vmem>>
      %dma_start3A_196 = tpu.memref_squeeze %dma_start3A_195 : memref<1x80xi32, #tpu.memory_space<vmem>> -> memref<80xi32, #tpu.memory_space<vmem>>
      %dma_start3A_197 = arith.constant 0 : i32
      %dma_start3A_198 = arith.constant 0 : i32
      %dma_start3A_199 = tpu.memref_slice %arg10[%dma_start3A_197, %dma_start3A_198] : memref<10240x16xf32, #tpu.memory_space<vmem_shared>> -> memref<10240x16xf32, #tpu.memory_space<vmem_shared>>
      tpu.enqueue_indirect_dma source(%dma_start3A_193 : memref<80x16xf32, #tpu.memory_space<vmem>>) target(%dma_start3A_199 : memref<10240x16xf32, #tpu.memory_space<vmem_shared>>) offsets(%dma_start3A_196 : memref<80xi32, #tpu.memory_space<vmem>>) semaphore(%arg11 : memref<!tpu.dma_semaphore, #tpu.memory_space<semaphore_mem>>) {add = true}
      %scan3A_200 = arith.constant 0 : i32
      scf.yield %scan3A_200 : i32
    }
    %scan3A_138 = arith.constant 25 : i32
    %scan3A_139 = arith.constant 0 : i32
    %scan3A_140 = arith.constant 0 : i32
    %scan3A_141 = arith.constant 25 : i32
    %scan3A_142 = arith.addi %scan3A_140, %scan3A_141 : i32
    %scan3A_143 = arith.constant 1 : i32
    %scan3A_144 = scf.for %scan3A_187 = %scan3A_140 to %scan3A_142 step %scan3A_143 iter_args(%scan3A_188 = %scan3A_139) -> (i32)  : i32 {
      %mul3A_189 = arith.constant 80 : i32
      %mul3A_190 = arith.muli %scan3A_187, %mul3A_189 : i32
      %add3A_191 = arith.constant 75 : i32
      %add3A_192 = arith.addi %add3A_191, %scan3A_187 : i32
      %dma_wait3A = arith.constant 0 : i32
      %dma_wait3A_193 = tpu.memref_slice %arg8[%mul3A_190, %dma_wait3A] : memref<2000x16xf32, #tpu.memory_space<vmem>> -> memref<80x16xf32, #tpu.memory_space<vmem>>
      %dma_wait3A_194 = arith.constant 0 : i32
      %dma_wait3A_195 = tpu.memref_slice %arg7[%add3A_192, %dma_wait3A_194] : memref<125x80xi32, #tpu.memory_space<vmem>> -> memref<1x80xi32, #tpu.memory_space<vmem>>
      %dma_wait3A_196 = tpu.memref_squeeze %dma_wait3A_195 : memref<1x80xi32, #tpu.memory_space<vmem>> -> memref<80xi32, #tpu.memory_space<vmem>>
      %dma_wait3A_197 = arith.constant 0 : i32
      %dma_wait3A_198 = arith.constant 0 : i32
      %dma_wait3A_199 = tpu.memref_slice %arg10[%dma_wait3A_197, %dma_wait3A_198] : memref<10240x16xf32, #tpu.memory_space<vmem_shared>> -> memref<10240x16xf32, #tpu.memory_space<vmem_shared>>
      tpu.wait_indirect_dma semaphore(%arg11 : memref<!tpu.dma_semaphore, #tpu.memory_space<semaphore_mem>>) src(%dma_wait3A_193 : memref<80x16xf32, #tpu.memory_space<vmem>>) dst(%dma_wait3A_199 : memref<10240x16xf32, #tpu.memory_space<vmem_shared>>)
      %scan3A_200 = arith.constant 0 : i32
      scf.yield %scan3A_200 : i32
    }
    %scan3A_145 = arith.constant 25 : i32
    %mul3A_146 = arith.constant 10000 : i32
    %mul3A_147 = arith.muli %add3A, %mul3A_146 : i32
    %add3A_148 = arith.constant 8000 : i32
    %add3A_149 = arith.addi %mul3A_147, %add3A_148 : i32
    "tpu.region"() ({
      %run_scoped3A_187 = tpu.sem_alloc : memref<!tpu.dma_semaphore, #tpu.memory_space<semaphore_mem>>
      %dma_start3A = arith.constant 0 : i32
      %dma_start3A_188 = tpu.memref_slice %arg2[%add3A_149, %dma_start3A] : memref<320000x16xf32, #tpu.memory_space<hbm>> -> memref<2000x16xf32, #tpu.memory_space<hbm>>
      %dma_start3A_189 = arith.constant 0 : i32
      %dma_start3A_190 = tpu.memref_slice %arg2[%add3A_149, %dma_start3A_189] : memref<320000x16xf32, #tpu.memory_space<hbm>> -> memref<2000x16xf32, #tpu.memory_space<hbm>>
      tpu.enqueue_dma source(%dma_start3A_190 : memref<2000x16xf32, #tpu.memory_space<hbm>>) target(%arg6 : memref<2000x16xf32, #tpu.memory_space<vmem>>) target_semaphore(%run_scoped3A_187 : memref<!tpu.dma_semaphore, #tpu.memory_space<semaphore_mem>>)
      %dma_wait3A = arith.constant 0 : i32
      %dma_wait3A_191 = tpu.memref_slice %arg2[%add3A_149, %dma_wait3A] : memref<320000x16xf32, #tpu.memory_space<hbm>> -> memref<2000x16xf32, #tpu.memory_space<hbm>>
      %dma_wait3A_192 = arith.constant 0 : i32
      %dma_wait3A_193 = tpu.memref_slice %arg2[%add3A_149, %dma_wait3A_192] : memref<320000x16xf32, #tpu.memory_space<hbm>> -> memref<2000x16xf32, #tpu.memory_space<hbm>>
      tpu.wait_dma2 semaphore(%run_scoped3A_187 : memref<!tpu.dma_semaphore, #tpu.memory_space<semaphore_mem>>) src(%dma_wait3A_193 : memref<2000x16xf32, #tpu.memory_space<hbm>>) dst(%arg6 : memref<2000x16xf32, #tpu.memory_space<vmem>>)
      tpu.yield
    }) : () -> ()
    %scan3A_150 = arith.constant 0 : i32
    %scan3A_151 = arith.constant 0 : i32
    %scan3A_152 = arith.constant 25 : i32
    %scan3A_153 = arith.addi %scan3A_151, %scan3A_152 : i32
    %scan3A_154 = arith.constant 1 : i32
    %scan3A_155 = scf.for %scan3A_187 = %scan3A_151 to %scan3A_153 step %scan3A_154 iter_args(%scan3A_188 = %scan3A_150) -> (i32)  : i32 {
      %mul3A_189 = arith.constant 80 : i32
      %mul3A_190 = arith.muli %scan3A_187, %mul3A_189 : i32
      %add3A_191 = arith.constant 100 : i32
      %add3A_192 = arith.addi %add3A_191, %scan3A_187 : i32
      %dma_start3A = arith.constant 0 : i32
      %dma_start3A_193 = tpu.memref_slice %arg6[%mul3A_190, %dma_start3A] : memref<2000x16xf32, #tpu.memory_space<vmem>> -> memref<80x16xf32, #tpu.memory_space<vmem>>
      %dma_start3A_194 = arith.constant 0 : i32
      %dma_start3A_195 = tpu.memref_slice %arg7[%add3A_192, %dma_start3A_194] : memref<125x80xi32, #tpu.memory_space<vmem>> -> memref<1x80xi32, #tpu.memory_space<vmem>>
      %dma_start3A_196 = tpu.memref_squeeze %dma_start3A_195 : memref<1x80xi32, #tpu.memory_space<vmem>> -> memref<80xi32, #tpu.memory_space<vmem>>
      %dma_start3A_197 = arith.constant 0 : i32
      %dma_start3A_198 = arith.constant 0 : i32
      %dma_start3A_199 = tpu.memref_slice %arg9[%dma_start3A_197, %dma_start3A_198] : memref<10240x16xf32, #tpu.memory_space<vmem_shared>> -> memref<10240x16xf32, #tpu.memory_space<vmem_shared>>
      tpu.enqueue_indirect_dma source(%dma_start3A_193 : memref<80x16xf32, #tpu.memory_space<vmem>>) target(%dma_start3A_199 : memref<10240x16xf32, #tpu.memory_space<vmem_shared>>) offsets(%dma_start3A_196 : memref<80xi32, #tpu.memory_space<vmem>>) semaphore(%arg11 : memref<!tpu.dma_semaphore, #tpu.memory_space<semaphore_mem>>) {add = true}
      %scan3A_200 = arith.constant 0 : i32
      scf.yield %scan3A_200 : i32
    }
    %scan3A_156 = arith.constant 25 : i32
    %scan3A_157 = arith.constant 0 : i32
    %scan3A_158 = arith.constant 0 : i32
    %scan3A_159 = arith.constant 25 : i32
    %scan3A_160 = arith.addi %scan3A_158, %scan3A_159 : i32
    %scan3A_161 = arith.constant 1 : i32
    %scan3A_162 = scf.for %scan3A_187 = %scan3A_158 to %scan3A_160 step %scan3A_161 iter_args(%scan3A_188 = %scan3A_157) -> (i32)  : i32 {
      %mul3A_189 = arith.constant 80 : i32
      %mul3A_190 = arith.muli %scan3A_187, %mul3A_189 : i32
      %add3A_191 = arith.constant 100 : i32
      %add3A_192 = arith.addi %add3A_191, %scan3A_187 : i32
      %dma_wait3A = arith.constant 0 : i32
      %dma_wait3A_193 = tpu.memref_slice %arg6[%mul3A_190, %dma_wait3A] : memref<2000x16xf32, #tpu.memory_space<vmem>> -> memref<80x16xf32, #tpu.memory_space<vmem>>
      %dma_wait3A_194 = arith.constant 0 : i32
      %dma_wait3A_195 = tpu.memref_slice %arg7[%add3A_192, %dma_wait3A_194] : memref<125x80xi32, #tpu.memory_space<vmem>> -> memref<1x80xi32, #tpu.memory_space<vmem>>
      %dma_wait3A_196 = tpu.memref_squeeze %dma_wait3A_195 : memref<1x80xi32, #tpu.memory_space<vmem>> -> memref<80xi32, #tpu.memory_space<vmem>>
      %dma_wait3A_197 = arith.constant 0 : i32
      %dma_wait3A_198 = arith.constant 0 : i32
      %dma_wait3A_199 = tpu.memref_slice %arg9[%dma_wait3A_197, %dma_wait3A_198] : memref<10240x16xf32, #tpu.memory_space<vmem_shared>> -> memref<10240x16xf32, #tpu.memory_space<vmem_shared>>
      tpu.wait_indirect_dma semaphore(%arg11 : memref<!tpu.dma_semaphore, #tpu.memory_space<semaphore_mem>>) src(%dma_wait3A_193 : memref<80x16xf32, #tpu.memory_space<vmem>>) dst(%dma_wait3A_199 : memref<10240x16xf32, #tpu.memory_space<vmem_shared>>)
      %scan3A_200 = arith.constant 0 : i32
      scf.yield %scan3A_200 : i32
    }
    %scan3A_163 = arith.constant 25 : i32
    %scan3A_164 = arith.constant 0 : i32
    %scan3A_165 = arith.constant 0 : i32
    %scan3A_166 = arith.constant 25 : i32
    %scan3A_167 = arith.addi %scan3A_165, %scan3A_166 : i32
    %scan3A_168 = arith.constant 1 : i32
    %scan3A_169 = scf.for %scan3A_187 = %scan3A_165 to %scan3A_167 step %scan3A_168 iter_args(%scan3A_188 = %scan3A_164) -> (i32)  : i32 {
      %mul3A_189 = arith.constant 80 : i32
      %mul3A_190 = arith.muli %scan3A_187, %mul3A_189 : i32
      %add3A_191 = arith.constant 100 : i32
      %add3A_192 = arith.addi %add3A_191, %scan3A_187 : i32
      %dma_start3A = arith.constant 0 : i32
      %dma_start3A_193 = tpu.memref_slice %arg8[%mul3A_190, %dma_start3A] : memref<2000x16xf32, #tpu.memory_space<vmem>> -> memref<80x16xf32, #tpu.memory_space<vmem>>
      %dma_start3A_194 = arith.constant 0 : i32
      %dma_start3A_195 = tpu.memref_slice %arg7[%add3A_192, %dma_start3A_194] : memref<125x80xi32, #tpu.memory_space<vmem>> -> memref<1x80xi32, #tpu.memory_space<vmem>>
      %dma_start3A_196 = tpu.memref_squeeze %dma_start3A_195 : memref<1x80xi32, #tpu.memory_space<vmem>> -> memref<80xi32, #tpu.memory_space<vmem>>
      %dma_start3A_197 = arith.constant 0 : i32
      %dma_start3A_198 = arith.constant 0 : i32
      %dma_start3A_199 = tpu.memref_slice %arg10[%dma_start3A_197, %dma_start3A_198] : memref<10240x16xf32, #tpu.memory_space<vmem_shared>> -> memref<10240x16xf32, #tpu.memory_space<vmem_shared>>
      tpu.enqueue_indirect_dma source(%dma_start3A_193 : memref<80x16xf32, #tpu.memory_space<vmem>>) target(%dma_start3A_199 : memref<10240x16xf32, #tpu.memory_space<vmem_shared>>) offsets(%dma_start3A_196 : memref<80xi32, #tpu.memory_space<vmem>>) semaphore(%arg11 : memref<!tpu.dma_semaphore, #tpu.memory_space<semaphore_mem>>) {add = true}
      %scan3A_200 = arith.constant 0 : i32
      scf.yield %scan3A_200 : i32
    }
    %scan3A_170 = arith.constant 25 : i32
    %scan3A_171 = arith.constant 0 : i32
    %scan3A_172 = arith.constant 0 : i32
    %scan3A_173 = arith.constant 25 : i32
    %scan3A_174 = arith.addi %scan3A_172, %scan3A_173 : i32
    %scan3A_175 = arith.constant 1 : i32
    %scan3A_176 = scf.for %scan3A_187 = %scan3A_172 to %scan3A_174 step %scan3A_175 iter_args(%scan3A_188 = %scan3A_171) -> (i32)  : i32 {
      %mul3A_189 = arith.constant 80 : i32
      %mul3A_190 = arith.muli %scan3A_187, %mul3A_189 : i32
      %add3A_191 = arith.constant 100 : i32
      %add3A_192 = arith.addi %add3A_191, %scan3A_187 : i32
      %dma_wait3A = arith.constant 0 : i32
      %dma_wait3A_193 = tpu.memref_slice %arg8[%mul3A_190, %dma_wait3A] : memref<2000x16xf32, #tpu.memory_space<vmem>> -> memref<80x16xf32, #tpu.memory_space<vmem>>
      %dma_wait3A_194 = arith.constant 0 : i32
      %dma_wait3A_195 = tpu.memref_slice %arg7[%add3A_192, %dma_wait3A_194] : memref<125x80xi32, #tpu.memory_space<vmem>> -> memref<1x80xi32, #tpu.memory_space<vmem>>
      %dma_wait3A_196 = tpu.memref_squeeze %dma_wait3A_195 : memref<1x80xi32, #tpu.memory_space<vmem>> -> memref<80xi32, #tpu.memory_space<vmem>>
      %dma_wait3A_197 = arith.constant 0 : i32
      %dma_wait3A_198 = arith.constant 0 : i32
      %dma_wait3A_199 = tpu.memref_slice %arg10[%dma_wait3A_197, %dma_wait3A_198] : memref<10240x16xf32, #tpu.memory_space<vmem_shared>> -> memref<10240x16xf32, #tpu.memory_space<vmem_shared>>
      tpu.wait_indirect_dma semaphore(%arg11 : memref<!tpu.dma_semaphore, #tpu.memory_space<semaphore_mem>>) src(%dma_wait3A_193 : memref<80x16xf32, #tpu.memory_space<vmem>>) dst(%dma_wait3A_199 : memref<10240x16xf32, #tpu.memory_space<vmem_shared>>)
      %scan3A_200 = arith.constant 0 : i32
      scf.yield %scan3A_200 : i32
    }
    %scan3A_177 = arith.constant 25 : i32
    %barrier3A_178 = arith.constant 0 : index
    tpu.barrier barrier_id(%barrier3A_178)
    %mul3A_179 = arith.constant 640 : i32
    %mul3A_180 = arith.muli %arg1, %mul3A_179 : i32
    %mul3A_181 = arith.constant 640 : i32
    %mul3A_182 = arith.muli %arg1, %mul3A_181 : i32
    "tpu.region"() ({
      %run_scoped3A_187 = tpu.sem_alloc : memref<!tpu.dma_semaphore, #tpu.memory_space<semaphore_mem>>
      %dma_start3A = arith.constant 0 : i32
      %dma_start3A_188 = tpu.memref_slice %arg4[%arg0, %mul3A_182, %dma_start3A] : memref<2x10240x16xf32, #tpu.memory_space<hbm>> -> memref<1x640x16xf32, #tpu.memory_space<hbm>>
      %dma_start3A_189 = tpu.memref_squeeze %dma_start3A_188 : memref<1x640x16xf32, #tpu.memory_space<hbm>> -> memref<640x16xf32, #tpu.memory_space<hbm>>
      %dma_start3A_190 = arith.constant 0 : i32
      %dma_start3A_191 = tpu.memref_slice %arg9[%mul3A_180, %dma_start3A_190] : memref<10240x16xf32, #tpu.memory_space<vmem_shared>> -> memref<640x16xf32, #tpu.memory_space<vmem_shared>>
      tpu.enqueue_dma source(%dma_start3A_191 : memref<640x16xf32, #tpu.memory_space<vmem_shared>>) target(%dma_start3A_189 : memref<640x16xf32, #tpu.memory_space<hbm>>) target_semaphore(%run_scoped3A_187 : memref<!tpu.dma_semaphore, #tpu.memory_space<semaphore_mem>>)
      %dma_wait3A = arith.constant 0 : i32
      %dma_wait3A_192 = tpu.memref_slice %arg4[%arg0, %mul3A_182, %dma_wait3A] : memref<2x10240x16xf32, #tpu.memory_space<hbm>> -> memref<1x640x16xf32, #tpu.memory_space<hbm>>
      %dma_wait3A_193 = tpu.memref_squeeze %dma_wait3A_192 : memref<1x640x16xf32, #tpu.memory_space<hbm>> -> memref<640x16xf32, #tpu.memory_space<hbm>>
      %dma_wait3A_194 = arith.constant 0 : i32
      %dma_wait3A_195 = tpu.memref_slice %arg9[%mul3A_180, %dma_wait3A_194] : memref<10240x16xf32, #tpu.memory_space<vmem_shared>> -> memref<640x16xf32, #tpu.memory_space<vmem_shared>>
      tpu.wait_dma2 semaphore(%run_scoped3A_187 : memref<!tpu.dma_semaphore, #tpu.memory_space<semaphore_mem>>) src(%dma_wait3A_195 : memref<640x16xf32, #tpu.memory_space<vmem_shared>>) dst(%dma_wait3A_193 : memref<640x16xf32, #tpu.memory_space<hbm>>)
      tpu.yield
    }) : () -> ()
    %mul3A_183 = arith.constant 640 : i32
    %mul3A_184 = arith.muli %arg1, %mul3A_183 : i32
    %mul3A_185 = arith.constant 640 : i32
    %mul3A_186 = arith.muli %arg1, %mul3A_185 : i32
    "tpu.region"() ({
      %run_scoped3A_187 = tpu.sem_alloc : memref<!tpu.dma_semaphore, #tpu.memory_space<semaphore_mem>>
      %dma_start3A = arith.constant 0 : i32
      %dma_start3A_188 = tpu.memref_slice %arg5[%arg0, %mul3A_186, %dma_start3A] : memref<2x10240x16xf32, #tpu.memory_space<hbm>> -> memref<1x640x16xf32, #tpu.memory_space<hbm>>
      %dma_start3A_189 = tpu.memref_squeeze %dma_start3A_188 : memref<1x640x16xf32, #tpu.memory_space<hbm>> -> memref<640x16xf32, #tpu.memory_space<hbm>>
      %dma_start3A_190 = arith.constant 0 : i32
      %dma_start3A_191 = tpu.memref_slice %arg10[%mul3A_184, %dma_start3A_190] : memref<10240x16xf32, #tpu.memory_space<vmem_shared>> -> memref<640x16xf32, #tpu.memory_space<vmem_shared>>
      tpu.enqueue_dma source(%dma_start3A_191 : memref<640x16xf32, #tpu.memory_space<vmem_shared>>) target(%dma_start3A_189 : memref<640x16xf32, #tpu.memory_space<hbm>>) target_semaphore(%run_scoped3A_187 : memref<!tpu.dma_semaphore, #tpu.memory_space<semaphore_mem>>)
      %dma_wait3A = arith.constant 0 : i32
      %dma_wait3A_192 = tpu.memref_slice %arg5[%arg0, %mul3A_186, %dma_wait3A] : memref<2x10240x16xf32, #tpu.memory_space<hbm>> -> memref<1x640x16xf32, #tpu.memory_space<hbm>>
      %dma_wait3A_193 = tpu.memref_squeeze %dma_wait3A_192 : memref<1x640x16xf32, #tpu.memory_space<hbm>> -> memref<640x16xf32, #tpu.memory_space<hbm>>
      %dma_wait3A_194 = arith.constant 0 : i32
      %dma_wait3A_195 = tpu.memref_slice %arg10[%mul3A_184, %dma_wait3A_194] : memref<10240x16xf32, #tpu.memory_space<vmem_shared>> -> memref<640x16xf32, #tpu.memory_space<vmem_shared>>
      tpu.wait_dma2 semaphore(%run_scoped3A_187 : memref<!tpu.dma_semaphore, #tpu.memory_space<semaphore_mem>>) src(%dma_wait3A_195 : memref<640x16xf32, #tpu.memory_space<vmem_shared>>) dst(%dma_wait3A_193 : memref<640x16xf32, #tpu.memory_space<hbm>>)
      tpu.yield
    }) : () -> ()
    return
  }
}

module attributes {stable_mosaic.version = 14 : i64} {
  func.func @_tc1_body(%arg0: i32, %arg1: memref<1000x128xf32, #tpu.memory_space<vmem>>, %arg2: memref<1000x1xi32, #tpu.memory_space<vmem>>, %arg3: memref<64x16xf32, #tpu.memory_space<vmem>>, %arg4: memref<160x128xf32, #tpu.memory_space<vmem>>, %arg5: memref<1x128xf32, #tpu.memory_space<vmem>>, %arg6: memref<1000x128xf32, #tpu.memory_space<vmem>>) attributes {dimension_semantics = [#tpu.dimension_semantics<arbitrary>], iteration_bounds = array<i64: 10>, scalar_prefetch = 0 : i64, scratch_operands = 0 : i64, tpu.core_type = #tpu.core_type<tc>, window_params = [{transform_indices = @transform_0, window_bounds = array<i64: 1000, 128>}, {transform_indices = @transform_1, window_bounds = array<i64: 1000, 1>}, {pipeline_mode = #tpu.pipeline_mode<synchronous>, transform_indices = @transform_2, window_bounds = array<i64: 64, 16>}, {pipeline_mode = #tpu.pipeline_mode<synchronous>, transform_indices = @transform_3, window_bounds = array<i64: 160, 128>}, {pipeline_mode = #tpu.pipeline_mode<synchronous>, transform_indices = @transform_4, window_bounds = array<i64: 1, 128>}, {transform_indices = @transform_5, window_bounds = array<i64: 1000, 128>}]} {
    %get3A = arith.constant 0 : index
    %get3A_0 = arith.constant 0 : index
    %get3A_1 = vector.load %arg1[%get3A, %get3A_0] : memref<1000x128xf32, #tpu.memory_space<vmem>>, vector<1000x128xf32>
    %get3A_2 = arith.constant 0 : index
    %get3A_3 = arith.constant 0 : index
    %get3A_4 = vector.load %arg4[%get3A_2, %get3A_3] : memref<160x128xf32, #tpu.memory_space<vmem>>, vector<128x128xf32>
    %dot_general3A = arith.constant dense<0.000000e+00> : vector<1000x128xf32>
    %dot_general3A_5 = tpu.matmul %get3A_1, %get3A_4, %dot_general3A {dimension_numbers = #tpu.dot_dimension_numbers<[1], [0], [0], [1], [0, 0, 1, 1], [], []>, transpose_lhs_hint = false} : vector<1000x128xf32>, vector<128x128xf32>, vector<1000x128xf32> -> vector<1000x128xf32>
    %get3A_6 = arith.constant 0 : index
    %get3A_7 = arith.constant 0 : index
    %get3A_8 = vector.load %arg3[%get3A_6, %get3A_7] : memref<64x16xf32, #tpu.memory_space<vmem>>, vector<64x16xf32>
    %get3A_9 = arith.constant 144 : index
    %get3A_10 = arith.constant 0 : index
    %get3A_11 = vector.load %arg4[%get3A_9, %get3A_10] : memref<160x128xf32, #tpu.memory_space<vmem>>, vector<16x128xf32>
    %dot_general3A_12 = arith.constant dense<0.000000e+00> : vector<64x128xf32>
    %dot_general3A_13 = tpu.matmul %get3A_8, %get3A_11, %dot_general3A_12 {dimension_numbers = #tpu.dot_dimension_numbers<[1], [0], [0], [1], [0, 0, 1, 1], [], []>, transpose_lhs_hint = false} : vector<64x16xf32>, vector<16x128xf32>, vector<64x128xf32> -> vector<64x128xf32>
    %get3A_14 = arith.constant 0 : index
    %get3A_15 = arith.constant 0 : index
    %get3A_16 = vector.load %arg5[%get3A_14, %get3A_15] : memref<1x128xf32, #tpu.memory_space<vmem>>, vector<1x128xf32>
    %add3A = vector.broadcast %get3A_16 : vector<1x128xf32> to vector<64x128xf32>
    %add3A_17 = arith.addf %dot_general3A_13, %add3A : vector<64x128xf32>
    %get3A_18 = arith.constant 0 : index
    %get3A_19 = arith.constant 0 : index
    %get3A_20 = vector.load %arg2[%get3A_18, %get3A_19] : memref<1000x1xi32, #tpu.memory_space<vmem>>, vector<1000x1xi32>
    %iota3A = tpu.iota {dimensions = array<i32: 1>} : vector<1x64xi32>
    %eq3A = vector.broadcast %get3A_20 : vector<1000x1xi32> to vector<1000x64xi32>
    %eq3A_21 = vector.broadcast %iota3A : vector<1x64xi32> to vector<1000x64xi32>
    %eq3A_22 = arith.cmpi eq, %eq3A, %eq3A_21 : vector<1000x64xi32>
    %convert_element_type3A = arith.extui %eq3A_22 : vector<1000x64xi1> to vector<1000x64xi32>
    %convert_element_type3A_23 = arith.sitofp %convert_element_type3A : vector<1000x64xi32> to vector<1000x64xf32>
    %dot_general3A_24 = arith.constant dense<0.000000e+00> : vector<1000x128xf32>
    %dot_general3A_25 = tpu.matmul %convert_element_type3A_23, %add3A_17, %dot_general3A_24 {dimension_numbers = #tpu.dot_dimension_numbers<[1], [0], [0], [1], [0, 0, 1, 1], [], []>, transpose_lhs_hint = false} : vector<1000x64xf32>, vector<64x128xf32>, vector<1000x128xf32> -> vector<1000x128xf32>
    %add3A_26 = arith.addf %dot_general3A_5, %dot_general3A_25 : vector<1000x128xf32>
    %swap3A = arith.constant 0 : index
    %swap3A_27 = arith.constant 0 : index
    %swap3A_28 = vector.load %arg6[%swap3A, %swap3A_27] : memref<1000x128xf32, #tpu.memory_space<vmem>>, vector<1000x128xf32>
    tpu.vector_store %arg6[%swap3A, %swap3A_27], %add3A_26 {strides = array<i32>} : memref<1000x128xf32, #tpu.memory_space<vmem>>, vector<1000x128xf32>,
    return
  }
  func.func @transform_0(%arg0: i32) -> (i32, i32) {
    %c0_i32 = arith.constant 0 : i32
    %c0_i32_0 = arith.constant 0 : i32
    return %arg0, %c0_i32 : i32, i32
  }
  func.func @transform_1(%arg0: i32) -> (i32, i32) {
    %c0_i32 = arith.constant 0 : i32
    %c0_i32_0 = arith.constant 0 : i32
    return %arg0, %c0_i32 : i32, i32
  }
  func.func @transform_2(%arg0: i32) -> (i32, i32) {
    %c0_i32 = arith.constant 0 : i32
    %c0_i32_0 = arith.constant 0 : i32
    %c0_i32_1 = arith.constant 0 : i32
    return %c0_i32, %c0_i32_0 : i32, i32
  }
  func.func @transform_3(%arg0: i32) -> (i32, i32) {
    %c0_i32 = arith.constant 0 : i32
    %c0_i32_0 = arith.constant 0 : i32
    %c0_i32_1 = arith.constant 0 : i32
    return %c0_i32, %c0_i32_0 : i32, i32
  }
  func.func @transform_4(%arg0: i32) -> (i32, i32) {
    %c0_i32 = arith.constant 0 : i32
    %c0_i32_0 = arith.constant 0 : i32
    %c0_i32_1 = arith.constant 0 : i32
    return %c0_i32, %c0_i32_0 : i32, i32
  }
  func.func @transform_5(%arg0: i32) -> (i32, i32) {
    %c0_i32 = arith.constant 0 : i32
    %c0_i32_0 = arith.constant 0 : i32
    return %arg0, %c0_i32 : i32, i32
  }
}

module attributes {stable_mosaic.version = 14 : i64} {
  func.func @_tc2_body(%arg0: i32, %arg1: memref<1000x128xf32, #tpu.memory_space<vmem>>, %arg2: memref<2x1000x16xf32, #tpu.memory_space<vmem>>, %arg3: memref<2x1000x16xf32, #tpu.memory_space<vmem>>, %arg4: memref<160x128xf32, #tpu.memory_space<vmem>>, %arg5: memref<128x128xf32, #tpu.memory_space<vmem>>, %arg6: memref<1x128xf32, #tpu.memory_space<vmem>>, %arg7: memref<1000x128xf32, #tpu.memory_space<vmem>>) attributes {dimension_semantics = [#tpu.dimension_semantics<arbitrary>], iteration_bounds = array<i64: 10>, scalar_prefetch = 0 : i64, scratch_operands = 0 : i64, tpu.core_type = #tpu.core_type<tc>, window_params = [{transform_indices = @transform_0, window_bounds = array<i64: 1000, 128>}, {transform_indices = @transform_1, window_bounds = array<i64: 2, 1000, 16>}, {transform_indices = @transform_2, window_bounds = array<i64: 2, 1000, 16>}, {pipeline_mode = #tpu.pipeline_mode<synchronous>, transform_indices = @transform_3, window_bounds = array<i64: 160, 128>}, {pipeline_mode = #tpu.pipeline_mode<synchronous>, transform_indices = @transform_4, window_bounds = array<i64: 128, 128>}, {pipeline_mode = #tpu.pipeline_mode<synchronous>, transform_indices = @transform_5, window_bounds = array<i64: 1, 128>}, {transform_indices = @transform_6, window_bounds = array<i64: 1000, 128>}]} {
    %get3A = arith.constant 0 : index
    %get3A_0 = arith.constant 0 : index
    %get3A_1 = arith.constant 0 : index
    %get3A_2 = vector.load %arg2[%get3A, %get3A_0, %get3A_1] : memref<2x1000x16xf32, #tpu.memory_space<vmem>>, vector<1x1000x16xf32>
    %get3A_3 = vector.shape_cast %get3A_2 : vector<1x1000x16xf32> to vector<1000x16xf32>
    %get3A_4 = arith.constant 1 : index
    %get3A_5 = arith.constant 0 : index
    %get3A_6 = arith.constant 0 : index
    %get3A_7 = vector.load %arg2[%get3A_4, %get3A_5, %get3A_6] : memref<2x1000x16xf32, #tpu.memory_space<vmem>>, vector<1x1000x16xf32>
    %get3A_8 = vector.shape_cast %get3A_7 : vector<1x1000x16xf32> to vector<1000x16xf32>
    %add3A = arith.addf %get3A_3, %get3A_8 : vector<1000x16xf32>
    %get3A_9 = arith.constant 0 : index
    %get3A_10 = arith.constant 0 : index
    %get3A_11 = arith.constant 0 : index
    %get3A_12 = vector.load %arg3[%get3A_9, %get3A_10, %get3A_11] : memref<2x1000x16xf32, #tpu.memory_space<vmem>>, vector<1x1000x1xf32>
    %get3A_13 = vector.shape_cast %get3A_12 : vector<1x1000x1xf32> to vector<1000x1xf32>
    %get3A_14 = arith.constant 1 : index
    %get3A_15 = arith.constant 0 : index
    %get3A_16 = arith.constant 0 : index
    %get3A_17 = vector.load %arg3[%get3A_14, %get3A_15, %get3A_16] : memref<2x1000x16xf32, #tpu.memory_space<vmem>>, vector<1x1000x1xf32>
    %get3A_18 = vector.shape_cast %get3A_17 : vector<1x1000x1xf32> to vector<1000x1xf32>
    %add3A_19 = arith.addf %get3A_13, %get3A_18 : vector<1000x1xf32>
    %max3A = arith.constant 1.000000e+00 : f32
    %max3A_20 = vector.broadcast %max3A : f32 to vector<1000x1xf32>
    %max3A_21 = arith.maximumf %add3A_19, %max3A_20 : vector<1000x1xf32>
    %div3A = arith.constant 1.000000e+00 : f32
    %div3A_22 = vector.broadcast %div3A : f32 to vector<1000x1xf32>
    %div3A_23 = arith.divf %div3A_22, %max3A_21 : vector<1000x1xf32>
    %get3A_24 = arith.constant 128 : index
    %get3A_25 = arith.constant 0 : index
    %get3A_26 = vector.load %arg4[%get3A_24, %get3A_25] : memref<160x128xf32, #tpu.memory_space<vmem>>, vector<16x128xf32>
    %dot_general3A = arith.constant dense<0.000000e+00> : vector<1000x128xf32>
    %dot_general3A_27 = tpu.matmul %add3A, %get3A_26, %dot_general3A {dimension_numbers = #tpu.dot_dimension_numbers<[1], [0], [0], [1], [0, 0, 1, 1], [], []>, transpose_lhs_hint = false} : vector<1000x16xf32>, vector<16x128xf32>, vector<1000x128xf32> -> vector<1000x128xf32>
    %mul3A = vector.broadcast %div3A_23 : vector<1000x1xf32> to vector<1000x128xf32>
    %mul3A_28 = arith.mulf %dot_general3A_27, %mul3A : vector<1000x128xf32>
    %get3A_29 = arith.constant 0 : index
    %get3A_30 = arith.constant 0 : index
    %get3A_31 = vector.load %arg1[%get3A_29, %get3A_30] : memref<1000x128xf32, #tpu.memory_space<vmem>>, vector<1000x128xf32>
    %add3A_32 = arith.addf %get3A_31, %mul3A_28 : vector<1000x128xf32>
    %max3A_33 = arith.constant 0.000000e+00 : f32
    %max3A_34 = vector.broadcast %max3A_33 : f32 to vector<1000x128xf32>
    %max3A_35 = arith.maximumf %add3A_32, %max3A_34 : vector<1000x128xf32>
    %abs3A = math.absf %add3A_32 : vector<1000x128xf32>
    %neg3A = arith.constant 0.000000e+00 : f32
    %neg3A_36 = vector.broadcast %neg3A : f32 to vector<1000x128xf32>
    %neg3A_37 = arith.subf %neg3A_36, %abs3A : vector<1000x128xf32>
    %exp3A = math.exp %neg3A_37 : vector<1000x128xf32>
    %log1p3A = math.log1p %exp3A : vector<1000x128xf32>
    %add3A_38 = arith.addf %max3A_35, %log1p3A : vector<1000x128xf32>
    %get3A_39 = arith.constant 0 : index
    %get3A_40 = arith.constant 0 : index
    %get3A_41 = vector.load %arg5[%get3A_39, %get3A_40] : memref<128x128xf32, #tpu.memory_space<vmem>>, vector<128x128xf32>
    %dot_general3A_42 = arith.constant dense<0.000000e+00> : vector<1000x128xf32>
    %dot_general3A_43 = tpu.matmul %add3A_38, %get3A_41, %dot_general3A_42 {dimension_numbers = #tpu.dot_dimension_numbers<[1], [0], [0], [1], [0, 0, 1, 1], [], []>, transpose_lhs_hint = false} : vector<1000x128xf32>, vector<128x128xf32>, vector<1000x128xf32> -> vector<1000x128xf32>
    %get3A_44 = arith.constant 0 : index
    %get3A_45 = arith.constant 0 : index
    %get3A_46 = vector.load %arg6[%get3A_44, %get3A_45] : memref<1x128xf32, #tpu.memory_space<vmem>>, vector<1x128xf32>
    %add3A_47 = vector.broadcast %get3A_46 : vector<1x128xf32> to vector<1000x128xf32>
    %add3A_48 = arith.addf %dot_general3A_43, %add3A_47 : vector<1000x128xf32>
    %swap3A = arith.constant 0 : index
    %swap3A_49 = arith.constant 0 : index
    %swap3A_50 = vector.load %arg7[%swap3A, %swap3A_49] : memref<1000x128xf32, #tpu.memory_space<vmem>>, vector<1000x128xf32>
    tpu.vector_store %arg7[%swap3A, %swap3A_49], %add3A_48 {strides = array<i32>} : memref<1000x128xf32, #tpu.memory_space<vmem>>, vector<1000x128xf32>,
    return
  }
  func.func @transform_0(%arg0: i32) -> (i32, i32) {
    %c0_i32 = arith.constant 0 : i32
    %c0_i32_0 = arith.constant 0 : i32
    return %arg0, %c0_i32 : i32, i32
  }
  func.func @transform_1(%arg0: i32) -> (i32, i32, i32) {
    %c0_i32 = arith.constant 0 : i32
    %c0_i32_0 = arith.constant 0 : i32
    %c0_i32_1 = arith.constant 0 : i32
    return %c0_i32, %arg0, %c0_i32_0 : i32, i32, i32
  }
  func.func @transform_2(%arg0: i32) -> (i32, i32, i32) {
    %c0_i32 = arith.constant 0 : i32
    %c0_i32_0 = arith.constant 0 : i32
    %c0_i32_1 = arith.constant 0 : i32
    return %c0_i32, %arg0, %c0_i32_0 : i32, i32, i32
  }
  func.func @transform_3(%arg0: i32) -> (i32, i32) {
    %c0_i32 = arith.constant 0 : i32
    %c0_i32_0 = arith.constant 0 : i32
    %c0_i32_1 = arith.constant 0 : i32
    return %c0_i32, %c0_i32_0 : i32, i32
  }
  func.func @transform_4(%arg0: i32) -> (i32, i32) {
    %c0_i32 = arith.constant 0 : i32
    %c0_i32_0 = arith.constant 0 : i32
    %c0_i32_1 = arith.constant 0 : i32
    return %c0_i32, %c0_i32_0 : i32, i32
  }
  func.func @transform_5(%arg0: i32) -> (i32, i32) {
    %c0_i32 = arith.constant 0 : i32
    %c0_i32_0 = arith.constant 0 : i32
    %c0_i32_1 = arith.constant 0 : i32
    return %c0_i32, %c0_i32_0 : i32, i32
  }
  func.func @transform_6(%arg0: i32) -> (i32, i32) {
    %c0_i32 = arith.constant 0 : i32
    %c0_i32_0 = arith.constant 0 : i32
    return %arg0, %c0_i32 : i32, i32
  }
}

</mosaic_0001>

<sc_bundles>
// kernel: kernel.5.cloned.1.call-start
scs
__scs_entry_jumppad:
0x0: {  	(pc) =	sbr.rel $0x88, $3  }
0x1: {  	(tag) =	ssettag $0x0;
	lr =	simm.s32 $0x1  }
0x2: {  	[smem:$0x3F98] =	sst lr;
	_ =	strace $0xD0000000  }
0x3: {  	_ = 	snop  }
0x4: {  	_ = 	snop  }
0x5: {  	_ = 	snop  }
0x6: {  	_ = 	snop  }
0x7: {  	_ = 	snop  }
__scs_overlays_trampoline_lowered:
0x8: {  	[smem:$0x3FA7] =	sst s0  }
0x9: {  	[smem:$0x3FA8] =	sst s1  }
0xa: {  	[smem:$0x3FA9] =	sst s2  }
0xb: {  	[smem:$0x3FAA] =	sst s3  }
0xc: {  	[smem:$0x3FAB] =	sst s4  }
0xd: {  	[smem:$0x3FAC] =	sst s5  }
0xe: {  	[smem:$0x3FAD] =	sst s6  }
0xf: {  	[smem:$0x3FAE] =	sst s7  }
0x10: {  	[smem:$0x3FAF] =	sst s8  }
0x11: {  	[smem:$0x3FB0] =	sst s9;
	s0 =	simm.s32 @!p0 $0x0  }
0x12: {  	s1 =	sld [smem:$0x3F96];
	s0 =	simm.s32 @p0 $0x1  }
0x13: {  	[smem:$0x3FB1] =	sst s0;
	s0 =	simm.s32 @!p1 $0x0  }
0x14: {  	s2 =	sld [smem:$0x3F95];
	s0 =	simm.s32 @p1 $0x1  }
0x15: {  	[smem:$0x3FB2] =	sst s0;
	s0 =	simm.s32 @!p2 $0x0  }
0x16: {  	s3 =	sld [smem:$0x3FDB];
	s0 =	simm.s32 @p2 $0x1  }
0x17: {  	s4 =	simm.s32 $0x1BF5;
	[smem:$0x3FB4] =	sst s0  }
0x18: {  	s0 =	sld [smem:$0x3F97];
	_ =	swait.ge [sflag:s4], $0x0  }
0x19: {  	s7 =	sld [smem:$0x3F98]  }
0x1a: {  	s8 =	sadd.s32 $0xFFFFE003, lr  }
0x1b: {  	s9 =	sadd.s32 $0xFFFFFEF7, lr;
	s5 =	simm.s32 $0xFFFFFFFF;
	p2 =	slt.u32 s8, $0xFFFFF086  }
0x1c: {  	p1 =	slt.u32 s9, $0xF7A;
	s5 =	simm.s32 @!p2 $0x0  }
0x1d: {  	s5 =	simm.s32 @p1 $0x1;
	p0 =	seq.s32 s7, s2  }
0x1e: {  	s7 =	smul.u32 @!p0 $0xF7A, s2;
	p2 =	seq.s32 @!p0 s5, $0x0  }
0x1f: {  	s9 =	smul.u32 $0xF7A, s1;
	s8 =	simm.s32 @!p0 $0x1BF5;
	p2 =	por !p2, p0  }
0x20: {  	[sflag:s8] =	ssyncset.s32 @!p0 $0xFFFFF086;
	s6 =	sadd.s32 @!p0 s3, s7;
	s7 =	simm.s32 @!p0 $0x108  }
0x21: {  	s3 =	sadd.s32 s3, s9;
	s6 =	sadd.s32 @!p0 $0x88, s6;
	s7 =	simm.s32 @p2 $0x1082  }
0x22: {  	[simem:s7], [sflag:s8] =	dma.local @!p0 [hbm:s6], $0xF7A  }
0x23: {  	s9 =	sor.u32 $0xD0000000, s2;
	s6 =	simm.s32 $0x108;
	_ =	swait.ge @!p0 [sflag:s8], $0x0  }
0x24: {  	s3 =	sadd.s32 $0x88, s3;
	s6 =	simm.s32 @!p1 $0x1082;
	[sflag:s4] =	ssyncset.s32 $0xFFFFF086  }
0x25: {  	[simem:s6], [sflag:s4] =	dma.local [hbm:s3], $0xF7A  }
0x26: {  	[smem:$0x3F98] =	sst s1;
	(tag) =	ssettag s2;
	_ =	strace s9  }
0x27: {  	s1 =	sld [smem:$0x3FA8]  }
0x28: {  	s2 =	sld [smem:$0x3FA9]  }
0x29: {  	s4 =	sld [smem:$0x3FAB]  }
0x2a: {  	p0 =	seq.s32 s5, $0x0;
	s5 =	sld [smem:$0x3FAC]  }
0x2b: {  	s6 =	sld [smem:$0x3FAD]  }
0x2c: {  	s7 =	sld [smem:$0x3FAE]  }
0x2d: {  	s3 =	simm.s32 $0x108;
	s8 =	sld [smem:$0x3FAF]  }
0x2e: {  	s3 =	simm.s32 @!p0 $0x1082;
	s9 =	sld [smem:$0x3FB0]  }
0x2f: {  	lr =	sadd.s32 s0, s3;
	s0 =	sld [smem:$0x3FA7]  }
0x30: {  	s3 =	sld [smem:$0x3FAA]  }
0x31: {  	[smem:$0x3FB3] =	sst s10  }
0x32: {  	s10 =	sld [smem:$0x3FB1];
	_ =	sdelay $0x3  }
0x33: {  	p0 =	seq.s32 s10, $0x1;
	s10 =	sld [smem:$0x3FB3];
	_ =	sdelay $0x3  }
0x34: {  	[smem:$0x3FB3] =	sst s10  }
0x35: {  	s10 =	sld [smem:$0x3FB2];
	_ =	sdelay $0x3  }
0x36: {  	p1 =	seq.s32 s10, $0x1;
	s10 =	sld [smem:$0x3FB3];
	_ =	sdelay $0x3  }
0x37: {  	[smem:$0x3FB3] =	sst s10  }
0x38: {  	s10 =	sld [smem:$0x3FB4]  }
0x39: {  	_ = 	snop;
	(pc) =	sbr.ind lr, $3  }
0x3a: {  	_ = 	snop  }
0x3b: {  	_ = 	snop  }
0x3c: {  	p2 =	seq.s32 s10, $0x1;
	s10 =	sld [smem:$0x3FB3]  }
0x3d: {  	_ =	shalt  }
0x3e: {  	_ =	shalt  }
0x3f: {  	_ =	shalt  }
0x40: {  	_ =	shalt  }
0x41: {  	_ =	shalt  }
0x42: {  	_ =	shalt  }
0x43: {  	_ =	shalt  }
0x44: {  	_ =	shalt  }
0x45: {  	_ =	shalt  }
0x46: {  	_ =	shalt  }
0x47: {  	_ =	shalt  }
0x48: {  	_ =	shalt  }
0x49: {  	_ =	shalt  }
0x4a: {  	_ =	shalt  }
0x4b: {  	_ =	shalt  }
0x4c: {  	_ =	shalt  }
0x4d: {  	_ =	shalt  }
0x4e: {  	_ =	shalt  }
0x4f: {  	_ =	shalt  }
0x50: {  	_ =	shalt  }
0x51: {  	_ =	shalt  }
0x52: {  	_ =	shalt  }
0x53: {  	_ =	shalt  }
0x54: {  	_ =	shalt  }
0x55: {  	_ =	shalt  }
0x56: {  	_ =	shalt  }
0x57: {  	_ =	shalt  }
0x58: {  	_ =	shalt  }
0x59: {  	_ =	shalt  }
0x5a: {  	_ =	shalt  }
0x5b: {  	_ =	shalt  }
0x5c: {  	_ =	shalt  }
0x5d: {  	_ =	shalt  }
0x5e: {  	_ =	shalt  }
0x5f: {  	_ =	shalt  }
0x60: {  	_ =	shalt  }
0x61: {  	_ =	shalt  }
0x62: {  	_ =	shalt  }
0x63: {  	_ =	shalt  }
0x64: {  	_ =	shalt  }
0x65: {  	_ =	shalt  }
0x66: {  	_ =	shalt  }
0x67: {  	_ =	shalt  }
0x68: {  	_ =	shalt  }
0x69: {  	_ =	shalt  }
0x6a: {  	_ =	shalt  }
0x6b: {  	_ =	shalt  }
0x6c: {  	_ =	shalt  }
0x6d: {  	_ =	shalt  }
0x6e: {  	_ =	shalt  }
0x6f: {  	_ =	shalt  }
0x70: {  	_ =	shalt  }
0x71: {  	_ =	shalt  }
0x72: {  	_ =	shalt  }
0x73: {  	_ =	shalt  }
0x74: {  	_ =	shalt  }
0x75: {  	_ =	shalt  }
0x76: {  	_ =	shalt  }
0x77: {  	_ =	shalt  }
0x78: {  	_ =	shalt  }
0x79: {  	_ =	shalt  }
0x7a: {  	_ =	shalt  }
0x7b: {  	_ =	shalt  }
0x7c: {  	_ =	shalt  }
0x7d: {  	_ =	shalt  }
0x7e: {  	_ =	shalt  }
0x7f: {  	_ =	shalt  }
0x80: {  	_ =	shalt  }
0x81: {  	_ =	shalt  }
0x82: {  	_ =	shalt  }
0x83: {  	_ =	shalt  }
0x84: {  	_ =	shalt  }
0x85: {  	_ =	shalt  }
0x86: {  	_ =	shalt  }
0x87: {  	_ =	shalt  }
.Lfunc_end0:
.L_simem_size_0:
called_computation_lowered:
.L_overlay_start_0:
0x88: {  	s2 =	sld [smem:$0x3FD9]  }
0x89: {  	s3 =	sld [smem:$0x3FFE];
	_ =	sdelay $0x1  }
0x8a: {  	s1 =	srdreg.scid  }
0x8b: {  	s0 =	sand.u32 $0x1, s1  }
0x8c: {  	s17 =	sshll.u32 s0, $0xA;
	s2 =	sadd.s32 s3, s2  }
0x8d: {  	s2 =	sadd.s32 s2, s17  }
0x8e: {  	[smem:$0x3FBF] =	sst s2  }
0x8f: {  	_ = 	snop  }
0x90: {  	s2 =	sld [smem:$0x3FD0];
	(tm) =	ssettm $0x1  }
0x91: {  	s18 =	sld [smem:$0x3FFB];
	_ =	sdelay $0x3  }
0x92: {  	_ =	strace s18  }
0x93: {  	s3 =	sld [smem:$0x3FFC];
	_ =	sdelay $0x3  }
0x94: {  	_ =	strace s3  }
0x95: {  	s3 =	sld [smem:$0x3FFD];
	_ =	sdelay $0x3  }
0x96: {  	_ =	strace s3  }
0x97: {  	_ =	strace $0x8FFFFFFF  }
0x98: {  	s19 =	sld [smem:$0x3FDB];
	_ =	sdelay $0x1  }
0x99: {  	s4 =	simm.s32 $_scs_section_size  }
0x9a: {  	s5 =	simm.s32 $_size__tile_overlayer_lowered;
	s6 =	simm.s32 $_tile_overlayer_lowered  }
0x9b: {  	s22 =	simm.s32 $0x1BFF;
	s21 =	sshll.u32 s6, $0x1;
	s3 =	sadd.s32 s4, s19  }
0x9c: {  	s7 =	simm.s32 $0x0;
	s20 =	sshll.u32 s5, $0x1;
	s5 =	sadd.s32 s21, s3  }
0x9d: {  	[timem:s7], [sflag:s22] =	dma.local [hbm:s5], s20  }
0x9e: {  	_ =	swait.ge [sflag:s22], s20  }
0x9f: {  	s4 =	ssub.s32 $0x0, s20;
	[sflag:s22] =	ssyncset.done $0x0  }
0xa0: {  	[sflag:s22] =	ssyncadd.s32 s4;
	_ =	sdelay $0x1  }
0xa1: {  	s23 =	simm.s32 $0x1B8B  }
0xa2: {  	_ =	swait.ge [sflag:s23], $0x1  }
0xa3: {  	[sflag:s23] =	ssyncset.done $0x0  }
0xa4: {  	s25 =	simm.s32 $0x1B8E;
	s24 =	sld [smem:$0x3FFE];
	[sflag:s23] =	ssyncadd.s32 $0xFFFFFFFF  }
0xa5: {  	s26 =	simm.s32 $execute0_lowered;
	[smem:$0x3FD2] =	sst s25  }
0xa6: {  	s5 =	sshll.u32 s26, $0x1;
	_ =	strace $0x80000046;
	[dreg:$0x1] =	wrdreg $0xFFFFFFFF  }
0xa7: {  	s28 =	simm.s32 $_size_execute0_lowered;
	s3 =	sadd.s32 s3, s5;
	[dreg:$0x0] =	wrdreg $0x0  }
0xa8: {  	s5 =	sshll.u32 s28, $0x1;
	[dreg:$0x2] =	wrdreg s3  }
0xa9: {  	[dreg:$0x3] =	wrdreg s5  }
0xaa: {  	[dreg:$0x4] =	wrdreg $0xC0  }
0xab: {  	_ =	task [dreg:s7], $0x5FFFF  }
0xac: {  	[dreg:$0x1] =	wrdreg $0xFFFFFFFF  }
0xad: {  	[dreg:$0x0] =	wrdreg $0x60  }
0xae: {  	[dreg:$0x2] =	wrdreg s24  }
0xaf: {  	[dreg:$0x3] =	wrdreg s2  }
0xb0: {  	[dreg:$0x4] =	wrdreg $0x121100  }
0xb1: {  	[dreg:$0x5] =	wrdreg $0x149100  }
0xb2: {  	[dreg:$0x6] =	wrdreg $0x9  }
0xb3: {  	_ =	task.clear_ibuf [dreg:s7], $0x7FFFF;
	_ =	strace $0x90000046  }
0xb4: {  	s29 =	simm.s32 $0x9;
	_ =	strace $0x80000048  }
0xb5: {  	_ =	swait.ge [sflag:s29], $0x1  }
0xb6: {  	[sflag:s29] =	ssyncadd.s32 $0xFFFFFFFF  }
0xb7: {  	_ =	strace $0x90000048  }
0xb8: {  	_ =	sfence  }
0xb9: {  	s30 =	sld [smem:$0x0];
	_ =	sdelay $0x2  }
0xba: {  	s31 =	sshll.u32 s1, $0xD;
	s1 =	sshrl.u32 s1, $0x2  }
0xbb: {  	s3 =	sand.u32 $0x4000, s31;
	s1 =	sadd.s32 s1, s30  }
0xbc: {  	s0 =	sor.u32 s3, s0;
	s1 =	sshll.u32 s1, $0x11  }
0xbd: {  	s0 =	sor.u32 s1, s0  }
0xbe: {  	s0 =	sadd.s32 $0x8F2B, s0  }
0xbf: {  	[sflag:s0] =	ssyncadd.remote.s32 $0x1  }
0xc0: {  	_ =	sfence.sel $0xFFFF  }
0xc1: {  	[dreg:$0x0] =	wrdreg $0xFFFFFFFF;
	(pc) =	sbr.abs _section_cstart, $3  }
0xc2: {  	[dreg:$0x1] =	wrdreg $0xFFFFFFFF  }
0xc3: {  	_ =	task.clear_ibuf [dreg:s7], $0x2FFFF;
	_ =	strace $0x9FFFFFFF  }
0xc4: {  	(tm) =	ssettm $0x7FFFFFFF  }
0xc5: {  	_ =	shalt  }
tec
execute0_lowered:
.L_overlay_start_1:
0x0: {  	(tag) =	ssettag $0x1  }
0x1: {  	s0 =	rddreg [dreg:$0x0]  }
0x2: {  	s1 =	rddreg [dreg:$0x1]  }
0x3: {  	s2 =	rddreg [dreg:$0x2]  }
0x4: {  	s3 =	rddreg [dreg:$0x3]  }
0x5: {  	s5 =	srdreg.scid;
	s9 =	stileid.u32;
	s4 =	simm.s32 $0x0  }
0x6: {  	s5 =	sand.u32 $0x1, s5;
	s6 =	smul.u32 $0x2800, s9;
	s9 =	sshll.u32 s9, $0x1  }
0x7: {  	s7 =	smul.u32 $0x28000, s5;
	s10 =	ssub.s32 $0x2, s5;
	s5 =	sor.u32 s5, s9  }
0x8: {  	[smem:$0x7FF] =	sst s4;
	s8 =	smul.u32 $0x27100, s5  }
0x9: {  	s19 =	sadd.s32 $0x4E4000, s0;
	_ =	strace $0x80000047;
	s22 =	smul.u32 $0x4E2, s5  }
0xa: {  	s20 =	sshrl.u32 s10, $0x1;
	s23 =	sadd.s32 s6, s2;
	s5 =	smul.u32 $0x4E20, s5  }
0xb: {  	s7 =	sadd.s32 s6, s7;
	[dreg:$0x5] =	wrdreg s23;
	s6 =	sadd.s32 s6, s3  }
0xc: {  	s21 =	ssub.s32 s10, s20;
	[dreg:$0x6] =	wrdreg s6;
	s1 =	sadd.s32 s1, s22  }
0xd: {  	s24 =	sshrl.u32 s8, $0x3;
	s5 =	sadd.s32 s19, s5;
	[dreg:$0x7] =	wrdreg s1  }
0xe: {  	s31 =	smax.u32 s21, $0x1;
	s25 =	sadd.s32 s19, s24;
	[dreg:$0x8] =	wrdreg s5  }
0xf: {  	[dreg:$0xf] =	wrdreg s31;
	s26 =	sadd.s32 $0xFA0, s25  }
0x10: {  	s28 =	sadd.s32 $0x1F40, s25;
	[dreg:$0x9] =	wrdreg s26  }
0x11: {  	s7 =	sshrl.u32 s7, $0x3;
	s29 =	sadd.s32 $0x2EE0, s25;
	[dreg:$0xa] =	wrdreg s28  }
0x12: {  	s0 =	sadd.s32 s7, s0;
	s1 =	sadd.s32 $0x3E80, s25;
	[dreg:$0xb] =	wrdreg s29  }
0x13: {  	s6 =	simm.s32 $0x1;
	s30 =	sadd.s32 $0xC000, s0;
	[dreg:$0xc] =	wrdreg s1  }
0x14: {  	s19 =	simm.s32 $0x50;
	s0 =	sadd.s32 $0x2000, s0;
	[dreg:$0xd] =	wrdreg s30  }
0x15: {  	v0 =	vimm.f32 $0.0e+00;
	v1 =	vimm.f32 $1.000000000e+00;
	[dreg:$0xe] =	wrdreg s0;
	s1 =	simm.s32 $0x2;
	s0 =	simm.s32 $0x0  }
.LBB2_1:
0x16: {  	[dreg:$0x10] =	wrdreg s0;
	s23 =	simm.s32 $0x40;
	s25 =	simm.s32 $0x0  }
.LBB2_2:
0x17: {  	p0 =	sne.s32 s23, $0x9FC0;
	[tilespmem:s25+$0xA410] =	vst v0;
	s25 =	smov.u32 s23;
	s23 =	sadd.s32 $0x40, s23  }
.Ltmp0:
0x18: {  	(pc) =	sbr.rel @p0 .LBB2_2-.Ltmp0, $2  }
0x19: {  	_ =	sdelay $0x2  }
0x1a: {  	s25 =	sshra.s32 s25, $0x2  }
0x1b: {  	[tilespmem:s25+$0xA410] =	vst v0;
	s23 =	rddreg [dreg:$0x5];
	s0 =	simm.s32 $0xA410  }
0x1c: {  	[spmem:s23] =	stream.linear.scatter [tilespmem:s0], [sflag:$0x2], $0x2800, $0x38;
	[tilespmem:$0x17110] =	vst v63  }
0x1d: {  	_ =	swait.ge [sflag:s1], $0x2800  }
0x1e: {  	[sflag:s1] =	ssyncset.done $0x0  }
0x1f: {  	s31 =	rddreg [dreg:$0x6];
	[sflag:s1] =	ssyncadd.s32 $0xFFFFD800  }
0x20: {  	[spmem:s31] =	stream.linear.scatter [tilespmem:s0], [sflag:$0x2], $0x2800, $0x38;
	[tilespmem:$0x17110] =	vst v63  }
0x21: {  	_ =	swait.ge [sflag:s1], $0x2800  }
0x22: {  	[sflag:s1] =	ssyncset.done $0x0  }
0x23: {  	s25 =	simm.s32 $0x0;
	s23 =	simm.s32 $0x40;
	[sflag:s1] =	ssyncadd.s32 $0xFFFFD800  }
.LBB2_4:
0x24: {  	p0 =	sne.s32 s23, $0x1F3C0;
	[tilespmem:s25+$0xA410] =	vst v1;
	s25 =	smov.u32 s23;
	s23 =	sadd.s32 $0x40, s23  }
.Ltmp1:
0x25: {  	(pc) =	sbr.rel @p0 .LBB2_4-.Ltmp1, $2  }
0x26: {  	_ =	sdelay $0x2  }
0x27: {  	s25 =	sshra.s32 s25, $0x2  }
0x28: {  	[tilespmem:s25+$0xA410] =	vst v1  }
0x29: {  	[bflag:$0x0] =	sbarrier.arrive $0xFFFF  }
0x2a: {  	s25 =	simm.s32 $0x7D00;
	s0 =	simm.s32 $0x0;
	s23 =	rddreg [dreg:$0x7]  }
0x2b: {  	[tilespmem:s25], [sflag:$0x2] =	stream.linear.gather [hbm4b:s23+s0], $0x2710, $0x38;
	[tilespmem:$0x17110] =	vst v63  }
0x2c: {  	_ =	swait.ge [sflag:s1], $0x2710  }
0x2d: {  	[sflag:s1] =	ssyncset.done $0x0  }
0x2e: {  	s7 =	rddreg [dreg:$0x8];
	[sflag:s1] =	ssyncadd.s32 $0xFFFFD8F0  }
0x2f: {  	[tilespmem:s0], [sflag:$0x2] =	stream.linear.gather [hbm4b:s7+s0], $0x7D00, $0x38;
	[tilespmem:$0x17110] =	vst v63  }
0x30: {  	_ =	swait.ge [sflag:s1], $0x7D00  }
0x31: {  	[sflag:s1] =	ssyncset.done $0x0  }
0x32: {  	[sflag:s1] =	ssyncadd.s32 $0xFFFF8300  }
0x33: {  	[spmem:s2] =	stream.indirect.scatter.add.f32 [tilespmem:s0], [sflag:$0x1], $0x10, s25, s19, $0xb8;
	[tilespmem:$0x17110] =	vst v63  }
0x34: {  	s8 =	simm.s32 $0x500;
	s23 =	simm.s32 $0x7D50  }
0x35: {  	[spmem:s2] =	stream.indirect.scatter.add.f32 [tilespmem:s8], [sflag:$0x1], $0x10, s23, s19, $0xb8;
	[tilespmem:$0x17110] =	vst v63  }
0x36: {  	s30 =	simm.s32 $0x7DA0;
	s9 =	simm.s32 $0xA00  }
0x37: {  	[spmem:s2] =	stream.indirect.scatter.add.f32 [tilespmem:s9], [sflag:$0x1], $0x10, s30, s19, $0xb8;
	[tilespmem:$0x17110] =	vst v63  }
0x38: {  	s20 =	simm.s32 $0x7DF0;
	s10 =	simm.s32 $0xF00  }
0x39: {  	[spmem:s2] =	stream.indirect.scatter.add.f32 [tilespmem:s10], [sflag:$0x1], $0x10, s20, s19, $0xb8;
	[tilespmem:$0x17110] =	vst v63  }
0x3a: {  	s26 =	simm.s32 $0x7E40;
	s11 =	simm.s32 $0x1400  }
0x3b: {  	[spmem:s2] =	stream.indirect.scatter.add.f32 [tilespmem:s11], [sflag:$0x1], $0x10, s26, s19, $0xb8;
	[tilespmem:$0x17110] =	vst v63  }
0x3c: {  	s12 =	simm.s32 $0x1900;
	s10 =	simm.s32 $0x7E90  }
0x3d: {  	[spmem:s2] =	stream.indirect.scatter.add.f32 [tilespmem:s12], [sflag:$0x1], $0x10, s10, s19, $0xb8;
	[tilespmem:$0x17110] =	vst v63  }
0x3e: {  	s13 =	simm.s32 $0x1E00;
	s1 =	simm.s32 $0x7EE0  }
0x3f: {  	[spmem:s2] =	stream.indirect.scatter.add.f32 [tilespmem:s13], [sflag:$0x1], $0x10, s1, s19, $0xb8;
	[tilespmem:$0x17110] =	vst v63  }
0x40: {  	s15 =	simm.s32 $0x7F30;
	s14 =	simm.s32 $0x2300  }
0x41: {  	[spmem:s2] =	stream.indirect.scatter.add.f32 [tilespmem:s14], [sflag:$0x1], $0x10, s15, s19, $0xb8;
	[tilespmem:$0x17110] =	vst v63  }
0x42: {  	s31 =	simm.s32 $0x7F80;
	s16 =	simm.s32 $0x2800  }
0x43: {  	[spmem:s2] =	stream.indirect.scatter.add.f32 [tilespmem:s16], [sflag:$0x1], $0x10, s31, s19, $0xb8;
	[tilespmem:$0x17110] =	vst v63  }
0x44: {  	s17 =	simm.s32 $0x2D00;
	s7 =	simm.s32 $0x7FD0  }
0x45: {  	[spmem:s2] =	stream.indirect.scatter.add.f32 [tilespmem:s17], [sflag:$0x1], $0x10, s7, s19, $0xb8;
	[tilespmem:$0x17110] =	vst v63  }
0x46: {  	s18 =	simm.s32 $0x3200;
	s9 =	simm.s32 $0x8020  }
0x47: {  	[spmem:s2] =	stream.indirect.scatter.add.f32 [tilespmem:s18], [sflag:$0x1], $0x10, s9, s19, $0xb8;
	[tilespmem:$0x17110] =	vst v63  }
0x48: {  	s22 =	simm.s32 $0x3700;
	s18 =	simm.s32 $0x8070  }
0x49: {  	[spmem:s2] =	stream.indirect.scatter.add.f32 [tilespmem:s22], [sflag:$0x1], $0x10, s18, s19, $0xb8;
	[tilespmem:$0x17110] =	vst v63  }
0x4a: {  	s24 =	simm.s32 $0x3C00;
	s16 =	simm.s32 $0x80C0  }
0x4b: {  	[spmem:s2] =	stream.indirect.scatter.add.f32 [tilespmem:s24], [sflag:$0x1], $0x10, s16, s19, $0xb8;
	[tilespmem:$0x17110] =	vst v63  }
0x4c: {  	s4 =	simm.s32 $0x4100;
	s0 =	simm.s32 $0x8110  }
0x4d: {  	[spmem:s2] =	stream.indirect.scatter.add.f32 [tilespmem:s4], [sflag:$0x1], $0x10, s0, s19, $0xb8;
	[tilespmem:$0x17110] =	vst v63  }
0x4e: {  	s5 =	simm.s32 $0x4600;
	s4 =	simm.s32 $0x8160  }
0x4f: {  	[spmem:s2] =	stream.indirect.scatter.add.f32 [tilespmem:s5], [sflag:$0x1], $0x10, s4, s19, $0xb8;
	[tilespmem:$0x17110] =	vst v63  }
0x50: {  	s8 =	simm.s32 $0x4B00;
	s5 =	simm.s32 $0x81B0  }
0x51: {  	[spmem:s2] =	stream.indirect.scatter.add.f32 [tilespmem:s8], [sflag:$0x1], $0x10, s5, s19, $0xb8;
	[tilespmem:$0x17110] =	vst v63  }
0x52: {  	s11 =	simm.s32 $0x5000;
	s8 =	simm.s32 $0x8200  }
0x53: {  	[spmem:s2] =	stream.indirect.scatter.add.f32 [tilespmem:s11], [sflag:$0x1], $0x10, s8, s19, $0xb8;
	[tilespmem:$0x17110] =	vst v63  }
0x54: {  	s12 =	simm.s32 $0x5500;
	s11 =	simm.s32 $0x8250  }
0x55: {  	[spmem:s2] =	stream.indirect.scatter.add.f32 [tilespmem:s12], [sflag:$0x1], $0x10, s11, s19, $0xb8;
	[tilespmem:$0x17110] =	vst v63  }
0x56: {  	s13 =	simm.s32 $0x5A00;
	s12 =	simm.s32 $0x82A0  }
0x57: {  	[spmem:s2] =	stream.indirect.scatter.add.f32 [tilespmem:s13], [sflag:$0x1], $0x10, s12, s19, $0xb8;
	[tilespmem:$0x17110] =	vst v63  }
0x58: {  	s14 =	simm.s32 $0x5F00;
	s13 =	simm.s32 $0x82F0  }
0x59: {  	[spmem:s2] =	stream.indirect.scatter.add.f32 [tilespmem:s14], [sflag:$0x1], $0x10, s13, s19, $0xb8;
	[tilespmem:$0x17110] =	vst v63  }
0x5a: {  	s17 =	simm.s32 $0x6400;
	s14 =	simm.s32 $0x8340  }
0x5b: {  	[spmem:s2] =	stream.indirect.scatter.add.f32 [tilespmem:s17], [sflag:$0x1], $0x10, s14, s19, $0xb8;
	[tilespmem:$0x17110] =	vst v63  }
0x5c: {  	s28 =	simm.s32 $0x6900;
	s22 =	simm.s32 $0x8390  }
0x5d: {  	[spmem:s2] =	stream.indirect.scatter.add.f32 [tilespmem:s28], [sflag:$0x1], $0x10, s22, s19, $0xb8;
	[tilespmem:$0x17110] =	vst v63  }
0x5e: {  	s29 =	simm.s32 $0x6E00;
	s24 =	simm.s32 $0x83E0  }
0x5f: {  	[spmem:s2] =	stream.indirect.scatter.add.f32 [tilespmem:s29], [sflag:$0x1], $0x10, s24, s19, $0xb8;
	[tilespmem:$0x17110] =	vst v63  }
0x60: {  	s28 =	simm.s32 $0x7300;
	s29 =	simm.s32 $0x8430  }
0x61: {  	[spmem:s2] =	stream.indirect.scatter.add.f32 [tilespmem:s28], [sflag:$0x1], $0x10, s29, s19, $0xb8;
	[tilespmem:$0x17110] =	vst v63  }
0x62: {  	s17 =	simm.s32 $0x8480;
	s28 =	simm.s32 $0x7800  }
0x63: {  	[spmem:s2] =	stream.indirect.scatter.add.f32 [tilespmem:s28], [sflag:$0x1], $0x10, s17, s19, $0xb8;
	[tilespmem:$0x17110] =	vst v63  }
0x64: {  	_ =	swait.ge [sflag:s6], $0x500  }
0x65: {  	[sflag:s6] =	ssyncset.done $0x0  }
0x66: {  	[sflag:s6] =	ssyncadd.s32 $0xFFFFFB00  }
0x67: {  	_ =	swait.ge [sflag:s6], $0x500  }
0x68: {  	[sflag:s6] =	ssyncset.done $0x0  }
0x69: {  	[sflag:s6] =	ssyncadd.s32 $0xFFFFFB00  }
0x6a: {  	_ =	swait.ge [sflag:s6], $0x500  }
0x6b: {  	[sflag:s6] =	ssyncset.done $0x0  }
0x6c: {  	[sflag:s6] =	ssyncadd.s32 $0xFFFFFB00  }
0x6d: {  	_ =	swait.ge [sflag:s6], $0x500  }
0x6e: {  	[sflag:s6] =	ssyncset.done $0x0  }
0x6f: {  	[sflag:s6] =	ssyncadd.s32 $0xFFFFFB00  }
0x70: {  	_ =	swait.ge [sflag:s6], $0x500  }
0x71: {  	[sflag:s6] =	ssyncset.done $0x0  }
0x72: {  	[sflag:s6] =	ssyncadd.s32 $0xFFFFFB00  }
0x73: {  	_ =	swait.ge [sflag:s6], $0x500  }
0x74: {  	[sflag:s6] =	ssyncset.done $0x0  }
0x75: {  	[sflag:s6] =	ssyncadd.s32 $0xFFFFFB00  }
0x76: {  	_ =	swait.ge [sflag:s6], $0x500  }
0x77: {  	[sflag:s6] =	ssyncset.done $0x0  }
0x78: {  	[sflag:s6] =	ssyncadd.s32 $0xFFFFFB00  }
0x79: {  	_ =	swait.ge [sflag:s6], $0x500  }
0x7a: {  	[sflag:s6] =	ssyncset.done $0x0  }
0x7b: {  	[sflag:s6] =	ssyncadd.s32 $0xFFFFFB00  }
0x7c: {  	_ =	swait.ge [sflag:s6], $0x500  }
0x7d: {  	[sflag:s6] =	ssyncset.done $0x0  }
0x7e: {  	[sflag:s6] =	ssyncadd.s32 $0xFFFFFB00  }
0x7f: {  	_ =	swait.ge [sflag:s6], $0x500  }
0x80: {  	[sflag:s6] =	ssyncset.done $0x0  }
0x81: {  	[sflag:s6] =	ssyncadd.s32 $0xFFFFFB00  }
0x82: {  	_ =	swait.ge [sflag:s6], $0x500  }
0x83: {  	[sflag:s6] =	ssyncset.done $0x0  }
0x84: {  	[sflag:s6] =	ssyncadd.s32 $0xFFFFFB00  }
0x85: {  	_ =	swait.ge [sflag:s6], $0x500  }
0x86: {  	[sflag:s6] =	ssyncset.done $0x0  }
0x87: {  	[sflag:s6] =	ssyncadd.s32 $0xFFFFFB00  }
0x88: {  	_ =	swait.ge [sflag:s6], $0x500  }
0x89: {  	[sflag:s6] =	ssyncset.done $0x0  }
0x8a: {  	[sflag:s6] =	ssyncadd.s32 $0xFFFFFB00  }
0x8b: {  	_ =	swait.ge [sflag:s6], $0x500  }
0x8c: {  	[sflag:s6] =	ssyncset.done $0x0  }
0x8d: {  	[sflag:s6] =	ssyncadd.s32 $0xFFFFFB00  }
0x8e: {  	_ =	swait.ge [sflag:s6], $0x500  }
0x8f: {  	[sflag:s6] =	ssyncset.done $0x0  }
0x90: {  	[sflag:s6] =	ssyncadd.s32 $0xFFFFFB00  }
0x91: {  	_ =	swait.ge [sflag:s6], $0x500  }
0x92: {  	[sflag:s6] =	ssyncset.done $0x0  }
0x93: {  	[sflag:s6] =	ssyncadd.s32 $0xFFFFFB00  }
0x94: {  	_ =	swait.ge [sflag:s6], $0x500  }
0x95: {  	[sflag:s6] =	ssyncset.done $0x0  }
0x96: {  	[sflag:s6] =	ssyncadd.s32 $0xFFFFFB00  }
0x97: {  	_ =	swait.ge [sflag:s6], $0x500  }
0x98: {  	[sflag:s6] =	ssyncset.done $0x0  }
0x99: {  	[sflag:s6] =	ssyncadd.s32 $0xFFFFFB00  }
0x9a: {  	_ =	swait.ge [sflag:s6], $0x500  }
0x9b: {  	[sflag:s6] =	ssyncset.done $0x0  }
0x9c: {  	[sflag:s6] =	ssyncadd.s32 $0xFFFFFB00  }
0x9d: {  	_ =	swait.ge [sflag:s6], $0x500  }
0x9e: {  	[sflag:s6] =	ssyncset.done $0x0  }
0x9f: {  	[sflag:s6] =	ssyncadd.s32 $0xFFFFFB00  }
0xa0: {  	_ =	swait.ge [sflag:s6], $0x500  }
0xa1: {  	[sflag:s6] =	ssyncset.done $0x0  }
0xa2: {  	[sflag:s6] =	ssyncadd.s32 $0xFFFFFB00  }
0xa3: {  	_ =	swait.ge [sflag:s6], $0x500  }
0xa4: {  	[sflag:s6] =	ssyncset.done $0x0  }
0xa5: {  	[sflag:s6] =	ssyncadd.s32 $0xFFFFFB00  }
0xa6: {  	_ =	swait.ge [sflag:s6], $0x500  }
0xa7: {  	[sflag:s6] =	ssyncset.done $0x0  }
0xa8: {  	[sflag:s6] =	ssyncadd.s32 $0xFFFFFB00  }
0xa9: {  	_ =	swait.ge [sflag:s6], $0x500  }
0xaa: {  	[sflag:s6] =	ssyncset.done $0x0  }
0xab: {  	[sflag:s6] =	ssyncadd.s32 $0xFFFFFB00  }
0xac: {  	_ =	swait.ge [sflag:s6], $0x500  }
0xad: {  	[sflag:s6] =	ssyncset.done $0x0  }
0xae: {  	s28 =	simm.s32 $0xA410;
	[sflag:s6] =	ssyncadd.s32 $0xFFFFFB00  }
0xaf: {  	[spmem:s3] =	stream.indirect.scatter.add.f32 [tilespmem:s28], [sflag:$0x1], $0x10, s25, s19, $0xb8;
	[tilespmem:$0x17110] =	vst v63  }
0xb0: {  	s28 =	simm.s32 $0xA910  }
0xb1: {  	[spmem:s3] =	stream.indirect.scatter.add.f32 [tilespmem:s28], [sflag:$0x1], $0x10, s23, s19, $0xb8;
	[tilespmem:$0x17110] =	vst v63  }
0xb2: {  	s28 =	simm.s32 $0xAE10  }
0xb3: {  	[spmem:s3] =	stream.indirect.scatter.add.f32 [tilespmem:s28], [sflag:$0x1], $0x10, s30, s19, $0xb8;
	[tilespmem:$0x17110] =	vst v63  }
0xb4: {  	s25 =	simm.s32 $0xB310  }
0xb5: {  	[spmem:s3] =	stream.indirect.scatter.add.f32 [tilespmem:s25], [sflag:$0x1], $0x10, s20, s19, $0xb8;
	[tilespmem:$0x17110] =	vst v63  }
0xb6: {  	s28 =	simm.s32 $0xB810  }
0xb7: {  	[spmem:s3] =	stream.indirect.scatter.add.f32 [tilespmem:s28], [sflag:$0x1], $0x10, s26, s19, $0xb8;
	[tilespmem:$0x17110] =	vst v63  }
0xb8: {  	s30 =	simm.s32 $0xBD10  }
0xb9: {  	[spmem:s3] =	stream.indirect.scatter.add.f32 [tilespmem:s30], [sflag:$0x1], $0x10, s10, s19, $0xb8;
	[tilespmem:$0x17110] =	vst v63  }
0xba: {  	s20 =	simm.s32 $0xC210  }
0xbb: {  	[spmem:s3] =	stream.indirect.scatter.add.f32 [tilespmem:s20], [sflag:$0x1], $0x10, s1, s19, $0xb8;
	[tilespmem:$0x17110] =	vst v63  }
0xbc: {  	s23 =	simm.s32 $0xC710  }
0xbd: {  	[spmem:s3] =	stream.indirect.scatter.add.f32 [tilespmem:s23], [sflag:$0x1], $0x10, s15, s19, $0xb8;
	[tilespmem:$0x17110] =	vst v63  }
0xbe: {  	s25 =	simm.s32 $0xCC10  }
0xbf: {  	[spmem:s3] =	stream.indirect.scatter.add.f32 [tilespmem:s25], [sflag:$0x1], $0x10, s31, s19, $0xb8;
	[tilespmem:$0x17110] =	vst v63  }
0xc0: {  	s26 =	simm.s32 $0xD110  }
0xc1: {  	[spmem:s3] =	stream.indirect.scatter.add.f32 [tilespmem:s26], [sflag:$0x1], $0x10, s7, s19, $0xb8;
	[tilespmem:$0x17110] =	vst v63  }
0xc2: {  	s28 =	simm.s32 $0xD610  }
0xc3: {  	[spmem:s3] =	stream.indirect.scatter.add.f32 [tilespmem:s28], [sflag:$0x1], $0x10, s9, s19, $0xb8;
	[tilespmem:$0x17110] =	vst v63  }
0xc4: {  	s30 =	simm.s32 $0xDB10  }
0xc5: {  	[spmem:s3] =	stream.indirect.scatter.add.f32 [tilespmem:s30], [sflag:$0x1], $0x10, s18, s19, $0xb8;
	[tilespmem:$0x17110] =	vst v63  }
0xc6: {  	s31 =	simm.s32 $0xE010  }
0xc7: {  	[spmem:s3] =	stream.indirect.scatter.add.f32 [tilespmem:s31], [sflag:$0x1], $0x10, s16, s19, $0xb8;
	[tilespmem:$0x17110] =	vst v63  }
0xc8: {  	s7 =	simm.s32 $0xE510  }
0xc9: {  	[spmem:s3] =	stream.indirect.scatter.add.f32 [tilespmem:s7], [sflag:$0x1], $0x10, s0, s19, $0xb8;
	[tilespmem:$0x17110] =	vst v63  }
0xca: {  	s9 =	simm.s32 $0xEA10  }
0xcb: {  	[spmem:s3] =	stream.indirect.scatter.add.f32 [tilespmem:s9], [sflag:$0x1], $0x10, s4, s19, $0xb8;
	[tilespmem:$0x17110] =	vst v63  }
0xcc: {  	s10 =	simm.s32 $0xEF10  }
0xcd: {  	[spmem:s3] =	stream.indirect.scatter.add.f32 [tilespmem:s10], [sflag:$0x1], $0x10, s5, s19, $0xb8;
	[tilespmem:$0x17110] =	vst v63  }
0xce: {  	s15 =	simm.s32 $0xF410  }
0xcf: {  	[spmem:s3] =	stream.indirect.scatter.add.f32 [tilespmem:s15], [sflag:$0x1], $0x10, s8, s19, $0xb8;
	[tilespmem:$0x17110] =	vst v63  }
0xd0: {  	s16 =	simm.s32 $0xF910  }
0xd1: {  	[spmem:s3] =	stream.indirect.scatter.add.f32 [tilespmem:s16], [sflag:$0x1], $0x10, s11, s19, $0xb8;
	[tilespmem:$0x17110] =	vst v63  }
0xd2: {  	s18 =	simm.s32 $0xFE10  }
0xd3: {  	[spmem:s3] =	stream.indirect.scatter.add.f32 [tilespmem:s18], [sflag:$0x1], $0x10, s12, s19, $0xb8;
	[tilespmem:$0x17110] =	vst v63  }
0xd4: {  	s20 =	simm.s32 $0x10310  }
0xd5: {  	[spmem:s3] =	stream.indirect.scatter.add.f32 [tilespmem:s20], [sflag:$0x1], $0x10, s13, s19, $0xb8;
	[tilespmem:$0x17110] =	vst v63  }
0xd6: {  	s23 =	simm.s32 $0x10810  }
0xd7: {  	[spmem:s3] =	stream.indirect.scatter.add.f32 [tilespmem:s23], [sflag:$0x1], $0x10, s14, s19, $0xb8;
	[tilespmem:$0x17110] =	vst v63  }
0xd8: {  	s25 =	simm.s32 $0x10D10  }
0xd9: {  	[spmem:s3] =	stream.indirect.scatter.add.f32 [tilespmem:s25], [sflag:$0x1], $0x10, s22, s19, $0xb8;
	[tilespmem:$0x17110] =	vst v63  }
0xda: {  	s26 =	simm.s32 $0x11210  }
0xdb: {  	[spmem:s3] =	stream.indirect.scatter.add.f32 [tilespmem:s26], [sflag:$0x1], $0x10, s24, s19, $0xb8;
	[tilespmem:$0x17110] =	vst v63  }
0xdc: {  	s28 =	simm.s32 $0x11710  }
0xdd: {  	[spmem:s3] =	stream.indirect.scatter.add.f32 [tilespmem:s28], [sflag:$0x1], $0x10, s29, s19, $0xb8;
	[tilespmem:$0x17110] =	vst v63  }
0xde: {  	s29 =	simm.s32 $0x11C10  }
0xdf: {  	[spmem:s3] =	stream.indirect.scatter.add.f32 [tilespmem:s29], [sflag:$0x1], $0x10, s17, s19, $0xb8;
	[tilespmem:$0x17110] =	vst v63  }
0xe0: {  	_ =	swait.ge [sflag:s6], $0x500  }
0xe1: {  	[sflag:s6] =	ssyncset.done $0x0  }
0xe2: {  	[sflag:s6] =	ssyncadd.s32 $0xFFFFFB00  }
0xe3: {  	_ =	swait.ge [sflag:s6], $0x500  }
0xe4: {  	[sflag:s6] =	ssyncset.done $0x0  }
0xe5: {  	[sflag:s6] =	ssyncadd.s32 $0xFFFFFB00  }
0xe6: {  	_ =	swait.ge [sflag:s6], $0x500  }
0xe7: {  	[sflag:s6] =	ssyncset.done $0x0  }
0xe8: {  	[sflag:s6] =	ssyncadd.s32 $0xFFFFFB00  }
0xe9: {  	_ =	swait.ge [sflag:s6], $0x500  }
0xea: {  	[sflag:s6] =	ssyncset.done $0x0  }
0xeb: {  	[sflag:s6] =	ssyncadd.s32 $0xFFFFFB00  }
0xec: {  	_ =	swait.ge [sflag:s6], $0x500  }
0xed: {  	[sflag:s6] =	ssyncset.done $0x0  }
0xee: {  	[sflag:s6] =	ssyncadd.s32 $0xFFFFFB00  }
0xef: {  	_ =	swait.ge [sflag:s6], $0x500  }
0xf0: {  	[sflag:s6] =	ssyncset.done $0x0  }
0xf1: {  	[sflag:s6] =	ssyncadd.s32 $0xFFFFFB00  }
0xf2: {  	_ =	swait.ge [sflag:s6], $0x500  }
0xf3: {  	[sflag:s6] =	ssyncset.done $0x0  }
0xf4: {  	[sflag:s6] =	ssyncadd.s32 $0xFFFFFB00  }
0xf5: {  	_ =	swait.ge [sflag:s6], $0x500  }
0xf6: {  	[sflag:s6] =	ssyncset.done $0x0  }
0xf7: {  	[sflag:s6] =	ssyncadd.s32 $0xFFFFFB00  }
0xf8: {  	_ =	swait.ge [sflag:s6], $0x500  }
0xf9: {  	[sflag:s6] =	ssyncset.done $0x0  }
0xfa: {  	[sflag:s6] =	ssyncadd.s32 $0xFFFFFB00  }
0xfb: {  	_ =	swait.ge [sflag:s6], $0x500  }
0xfc: {  	[sflag:s6] =	ssyncset.done $0x0  }
0xfd: {  	[sflag:s6] =	ssyncadd.s32 $0xFFFFFB00  }
0xfe: {  	_ =	swait.ge [sflag:s6], $0x500  }
0xff: {  	[sflag:s6] =	ssyncset.done $0x0  }
0x100: {  	[sflag:s6] =	ssyncadd.s32 $0xFFFFFB00  }
0x101: {  	_ =	swait.ge [sflag:s6], $0x500  }
0x102: {  	[sflag:s6] =	ssyncset.done $0x0  }
0x103: {  	[sflag:s6] =	ssyncadd.s32 $0xFFFFFB00  }
0x104: {  	_ =	swait.ge [sflag:s6], $0x500  }
0x105: {  	[sflag:s6] =	ssyncset.done $0x0  }
0x106: {  	[sflag:s6] =	ssyncadd.s32 $0xFFFFFB00  }
0x107: {  	_ =	swait.ge [sflag:s6], $0x500  }
0x108: {  	[sflag:s6] =	ssyncset.done $0x0  }
0x109: {  	[sflag:s6] =	ssyncadd.s32 $0xFFFFFB00  }
0x10a: {  	_ =	swait.ge [sflag:s6], $0x500  }
0x10b: {  	[sflag:s6] =	ssyncset.done $0x0  }
0x10c: {  	[sflag:s6] =	ssyncadd.s32 $0xFFFFFB00  }
0x10d: {  	_ =	swait.ge [sflag:s6], $0x500  }
0x10e: {  	[sflag:s6] =	ssyncset.done $0x0  }
0x10f: {  	[sflag:s6] =	ssyncadd.s32 $0xFFFFFB00  }
0x110: {  	_ =	swait.ge [sflag:s6], $0x500  }
0x111: {  	[sflag:s6] =	ssyncset.done $0x0  }
0x112: {  	[sflag:s6] =	ssyncadd.s32 $0xFFFFFB00  }
0x113: {  	_ =	swait.ge [sflag:s6], $0x500  }
0x114: {  	[sflag:s6] =	ssyncset.done $0x0  }
0x115: {  	[sflag:s6] =	ssyncadd.s32 $0xFFFFFB00  }
0x116: {  	_ =	swait.ge [sflag:s6], $0x500  }
0x117: {  	[sflag:s6] =	ssyncset.done $0x0  }
0x118: {  	[sflag:s6] =	ssyncadd.s32 $0xFFFFFB00  }
0x119: {  	_ =	swait.ge [sflag:s6], $0x500  }
0x11a: {  	[sflag:s6] =	ssyncset.done $0x0  }
0x11b: {  	[sflag:s6] =	ssyncadd.s32 $0xFFFFFB00  }
0x11c: {  	_ =	swait.ge [sflag:s6], $0x500  }
0x11d: {  	[sflag:s6] =	ssyncset.done $0x0  }
0x11e: {  	[sflag:s6] =	ssyncadd.s32 $0xFFFFFB00  }
0x11f: {  	_ =	swait.ge [sflag:s6], $0x500  }
0x120: {  	[sflag:s6] =	ssyncset.done $0x0  }
0x121: {  	[sflag:s6] =	ssyncadd.s32 $0xFFFFFB00  }
0x122: {  	_ =	swait.ge [sflag:s6], $0x500  }
0x123: {  	[sflag:s6] =	ssyncset.done $0x0  }
0x124: {  	[sflag:s6] =	ssyncadd.s32 $0xFFFFFB00  }
0x125: {  	_ =	swait.ge [sflag:s6], $0x500  }
0x126: {  	[sflag:s6] =	ssyncset.done $0x0  }
0x127: {  	[sflag:s6] =	ssyncadd.s32 $0xFFFFFB00  }
0x128: {  	_ =	swait.ge [sflag:s6], $0x500  }
0x129: {  	s21 =	simm.s32 $0x2;
	[sflag:s6] =	ssyncset.done $0x0  }
0x12a: {  	s31 =	simm.s32 $0x0;
	s30 =	rddreg [dreg:$0x9];
	[sflag:s6] =	ssyncadd.s32 $0xFFFFFB00  }
0x12b: {  	[tilespmem:s31], [sflag:$0x2] =	stream.linear.gather [hbm4b:s30+s31], $0x7D00, $0x38;
	[tilespmem:$0x17110] =	vst v63  }
0x12c: {  	_ =	swait.ge [sflag:s21], $0x7D00  }
0x12d: {  	[sflag:s21] =	ssyncset.done $0x0  }
0x12e: {  	s17 =	simm.s32 $0x84D0;
	[sflag:s21] =	ssyncadd.s32 $0xFFFF8300  }
0x12f: {  	[spmem:s2] =	stream.indirect.scatter.add.f32 [tilespmem:s31], [sflag:$0x1], $0x10, s17, s19, $0xb8;
	[tilespmem:$0x17110] =	vst v63  }
0x130: {  	s1 =	simm.s32 $0x500;
	s23 =	simm.s32 $0x8520  }
0x131: {  	[spmem:s2] =	stream.indirect.scatter.add.f32 [tilespmem:s1], [sflag:$0x1], $0x10, s23, s19, $0xb8;
	[tilespmem:$0x17110] =	vst v63  }
0x132: {  	s0 =	simm.s32 $0x8570;
	s4 =	simm.s32 $0xA00  }
0x133: {  	[spmem:s2] =	stream.indirect.scatter.add.f32 [tilespmem:s4], [sflag:$0x1], $0x10, s0, s19, $0xb8;
	[tilespmem:$0x17110] =	vst v63  }
0x134: {  	s5 =	simm.s32 $0xF00;
	s1 =	simm.s32 $0x85C0  }
0x135: {  	[spmem:s2] =	stream.indirect.scatter.add.f32 [tilespmem:s5], [sflag:$0x1], $0x10, s1, s19, $0xb8;
	[tilespmem:$0x17110] =	vst v63  }
0x136: {  	s7 =	simm.s32 $0x1400;
	s4 =	simm.s32 $0x8610  }
0x137: {  	[spmem:s2] =	stream.indirect.scatter.add.f32 [tilespmem:s7], [sflag:$0x1], $0x10, s4, s19, $0xb8;
	[tilespmem:$0x17110] =	vst v63  }
0x138: {  	s8 =	simm.s32 $0x1900;
	s5 =	simm.s32 $0x8660  }
0x139: {  	[spmem:s2] =	stream.indirect.scatter.add.f32 [tilespmem:s8], [sflag:$0x1], $0x10, s5, s19, $0xb8;
	[tilespmem:$0x17110] =	vst v63  }
0x13a: {  	s9 =	simm.s32 $0x1E00;
	s7 =	simm.s32 $0x86B0  }
0x13b: {  	[spmem:s2] =	stream.indirect.scatter.add.f32 [tilespmem:s9], [sflag:$0x1], $0x10, s7, s19, $0xb8;
	[tilespmem:$0x17110] =	vst v63  }
0x13c: {  	s10 =	simm.s32 $0x2300;
	s8 =	simm.s32 $0x8700  }
0x13d: {  	[spmem:s2] =	stream.indirect.scatter.add.f32 [tilespmem:s10], [sflag:$0x1], $0x10, s8, s19, $0xb8;
	[tilespmem:$0x17110] =	vst v63  }
0x13e: {  	s11 =	simm.s32 $0x2800;
	s9 =	simm.s32 $0x8750  }
0x13f: {  	[spmem:s2] =	stream.indirect.scatter.add.f32 [tilespmem:s11], [sflag:$0x1], $0x10, s9, s19, $0xb8;
	[tilespmem:$0x17110] =	vst v63  }
0x140: {  	s12 =	simm.s32 $0x2D00;
	s10 =	simm.s32 $0x87A0  }
0x141: {  	[spmem:s2] =	stream.indirect.scatter.add.f32 [tilespmem:s12], [sflag:$0x1], $0x10, s10, s19, $0xb8;
	[tilespmem:$0x17110] =	vst v63  }
0x142: {  	s13 =	simm.s32 $0x3200;
	s11 =	simm.s32 $0x87F0  }
0x143: {  	[spmem:s2] =	stream.indirect.scatter.add.f32 [tilespmem:s13], [sflag:$0x1], $0x10, s11, s19, $0xb8;
	[tilespmem:$0x17110] =	vst v63  }
0x144: {  	s14 =	simm.s32 $0x3700;
	s12 =	simm.s32 $0x8840  }
0x145: {  	[spmem:s2] =	stream.indirect.scatter.add.f32 [tilespmem:s14], [sflag:$0x1], $0x10, s12, s19, $0xb8;
	[tilespmem:$0x17110] =	vst v63  }
0x146: {  	s15 =	simm.s32 $0x3C00;
	s13 =	simm.s32 $0x8890  }
0x147: {  	[spmem:s2] =	stream.indirect.scatter.add.f32 [tilespmem:s15], [sflag:$0x1], $0x10, s13, s19, $0xb8;
	[tilespmem:$0x17110] =	vst v63  }
0x148: {  	s16 =	simm.s32 $0x4100;
	s14 =	simm.s32 $0x88E0  }
0x149: {  	[spmem:s2] =	stream.indirect.scatter.add.f32 [tilespmem:s16], [sflag:$0x1], $0x10, s14, s19, $0xb8;
	[tilespmem:$0x17110] =	vst v63  }
0x14a: {  	s18 =	simm.s32 $0x4600;
	s15 =	simm.s32 $0x8930  }
0x14b: {  	[spmem:s2] =	stream.indirect.scatter.add.f32 [tilespmem:s18], [sflag:$0x1], $0x10, s15, s19, $0xb8;
	[tilespmem:$0x17110] =	vst v63  }
0x14c: {  	s20 =	simm.s32 $0x4B00;
	s16 =	simm.s32 $0x8980  }
0x14d: {  	[spmem:s2] =	stream.indirect.scatter.add.f32 [tilespmem:s20], [sflag:$0x1], $0x10, s16, s19, $0xb8;
	[tilespmem:$0x17110] =	vst v63  }
0x14e: {  	s21 =	simm.s32 $0x5000;
	s18 =	simm.s32 $0x89D0  }
0x14f: {  	[spmem:s2] =	stream.indirect.scatter.add.f32 [tilespmem:s21], [sflag:$0x1], $0x10, s18, s19, $0xb8;
	[tilespmem:$0x17110] =	vst v63  }
0x150: {  	s22 =	simm.s32 $0x5500;
	s20 =	simm.s32 $0x8A20  }
0x151: {  	[spmem:s2] =	stream.indirect.scatter.add.f32 [tilespmem:s22], [sflag:$0x1], $0x10, s20, s19, $0xb8;
	[tilespmem:$0x17110] =	vst v63  }
0x152: {  	s24 =	simm.s32 $0x5A00;
	s21 =	simm.s32 $0x8A70  }
0x153: {  	[spmem:s2] =	stream.indirect.scatter.add.f32 [tilespmem:s24], [sflag:$0x1], $0x10, s21, s19, $0xb8;
	[tilespmem:$0x17110] =	vst v63  }
0x154: {  	s25 =	simm.s32 $0x5F00;
	s22 =	simm.s32 $0x8AC0  }
0x155: {  	[spmem:s2] =	stream.indirect.scatter.add.f32 [tilespmem:s25], [sflag:$0x1], $0x10, s22, s19, $0xb8;
	[tilespmem:$0x17110] =	vst v63  }
0x156: {  	s26 =	simm.s32 $0x6400;
	s24 =	simm.s32 $0x8B10  }
0x157: {  	[spmem:s2] =	stream.indirect.scatter.add.f32 [tilespmem:s26], [sflag:$0x1], $0x10, s24, s19, $0xb8;
	[tilespmem:$0x17110] =	vst v63  }
0x158: {  	s28 =	simm.s32 $0x6900;
	s25 =	simm.s32 $0x8B60  }
0x159: {  	[spmem:s2] =	stream.indirect.scatter.add.f32 [tilespmem:s28], [sflag:$0x1], $0x10, s25, s19, $0xb8;
	[tilespmem:$0x17110] =	vst v63  }
0x15a: {  	s29 =	simm.s32 $0x6E00;
	s26 =	simm.s32 $0x8BB0  }
0x15b: {  	[spmem:s2] =	stream.indirect.scatter.add.f32 [tilespmem:s29], [sflag:$0x1], $0x10, s26, s19, $0xb8;
	[tilespmem:$0x17110] =	vst v63  }
0x15c: {  	s31 =	simm.s32 $0x7300;
	s28 =	simm.s32 $0x8C00  }
0x15d: {  	[spmem:s2] =	stream.indirect.scatter.add.f32 [tilespmem:s31], [sflag:$0x1], $0x10, s28, s19, $0xb8;
	[tilespmem:$0x17110] =	vst v63  }
0x15e: {  	s29 =	simm.s32 $0x8C50;
	s31 =	simm.s32 $0x7800  }
0x15f: {  	[spmem:s2] =	stream.indirect.scatter.add.f32 [tilespmem:s31], [sflag:$0x1], $0x10, s29, s19, $0xb8;
	[tilespmem:$0x17110] =	vst v63  }
0x160: {  	_ =	swait.ge [sflag:s6], $0x500  }
0x161: {  	[sflag:s6] =	ssyncset.done $0x0  }
0x162: {  	[sflag:s6] =	ssyncadd.s32 $0xFFFFFB00  }
0x163: {  	_ =	swait.ge [sflag:s6], $0x500  }
0x164: {  	[sflag:s6] =	ssyncset.done $0x0  }
0x165: {  	[sflag:s6] =	ssyncadd.s32 $0xFFFFFB00  }
0x166: {  	_ =	swait.ge [sflag:s6], $0x500  }
0x167: {  	[sflag:s6] =	ssyncset.done $0x0  }
0x168: {  	[sflag:s6] =	ssyncadd.s32 $0xFFFFFB00  }
0x169: {  	_ =	swait.ge [sflag:s6], $0x500  }
0x16a: {  	[sflag:s6] =	ssyncset.done $0x0  }
0x16b: {  	[sflag:s6] =	ssyncadd.s32 $0xFFFFFB00  }
0x16c: {  	_ =	swait.ge [sflag:s6], $0x500  }
0x16d: {  	[sflag:s6] =	ssyncset.done $0x0  }
0x16e: {  	[sflag:s6] =	ssyncadd.s32 $0xFFFFFB00  }
0x16f: {  	_ =	swait.ge [sflag:s6], $0x500  }
0x170: {  	[sflag:s6] =	ssyncset.done $0x0  }
0x171: {  	[sflag:s6] =	ssyncadd.s32 $0xFFFFFB00  }
0x172: {  	_ =	swait.ge [sflag:s6], $0x500  }
0x173: {  	[sflag:s6] =	ssyncset.done $0x0  }
0x174: {  	[sflag:s6] =	ssyncadd.s32 $0xFFFFFB00  }
0x175: {  	_ =	swait.ge [sflag:s6], $0x500  }
0x176: {  	[sflag:s6] =	ssyncset.done $0x0  }
0x177: {  	[sflag:s6] =	ssyncadd.s32 $0xFFFFFB00  }
0x178: {  	_ =	swait.ge [sflag:s6], $0x500  }
0x179: {  	[sflag:s6] =	ssyncset.done $0x0  }
0x17a: {  	[sflag:s6] =	ssyncadd.s32 $0xFFFFFB00  }
0x17b: {  	_ =	swait.ge [sflag:s6], $0x500  }
0x17c: {  	[sflag:s6] =	ssyncset.done $0x0  }
0x17d: {  	[sflag:s6] =	ssyncadd.s32 $0xFFFFFB00  }
0x17e: {  	_ =	swait.ge [sflag:s6], $0x500  }
0x17f: {  	[sflag:s6] =	ssyncset.done $0x0  }
0x180: {  	[sflag:s6] =	ssyncadd.s32 $0xFFFFFB00  }
0x181: {  	_ =	swait.ge [sflag:s6], $0x500  }
0x182: {  	[sflag:s6] =	ssyncset.done $0x0  }
0x183: {  	[sflag:s6] =	ssyncadd.s32 $0xFFFFFB00  }
0x184: {  	_ =	swait.ge [sflag:s6], $0x500  }
0x185: {  	[sflag:s6] =	ssyncset.done $0x0  }
0x186: {  	[sflag:s6] =	ssyncadd.s32 $0xFFFFFB00  }
0x187: {  	_ =	swait.ge [sflag:s6], $0x500  }
0x188: {  	[sflag:s6] =	ssyncset.done $0x0  }
0x189: {  	[sflag:s6] =	ssyncadd.s32 $0xFFFFFB00  }
0x18a: {  	_ =	swait.ge [sflag:s6], $0x500  }
0x18b: {  	[sflag:s6] =	ssyncset.done $0x0  }
0x18c: {  	[sflag:s6] =	ssyncadd.s32 $0xFFFFFB00  }
0x18d: {  	_ =	swait.ge [sflag:s6], $0x500  }
0x18e: {  	[sflag:s6] =	ssyncset.done $0x0  }
0x18f: {  	[sflag:s6] =	ssyncadd.s32 $0xFFFFFB00  }
0x190: {  	_ =	swait.ge [sflag:s6], $0x500  }
0x191: {  	[sflag:s6] =	ssyncset.done $0x0  }
0x192: {  	[sflag:s6] =	ssyncadd.s32 $0xFFFFFB00  }
0x193: {  	_ =	swait.ge [sflag:s6], $0x500  }
0x194: {  	[sflag:s6] =	ssyncset.done $0x0  }
0x195: {  	[sflag:s6] =	ssyncadd.s32 $0xFFFFFB00  }
0x196: {  	_ =	swait.ge [sflag:s6], $0x500  }
0x197: {  	[sflag:s6] =	ssyncset.done $0x0  }
0x198: {  	[sflag:s6] =	ssyncadd.s32 $0xFFFFFB00  }
0x199: {  	_ =	swait.ge [sflag:s6], $0x500  }
0x19a: {  	[sflag:s6] =	ssyncset.done $0x0  }
0x19b: {  	[sflag:s6] =	ssyncadd.s32 $0xFFFFFB00  }
0x19c: {  	_ =	swait.ge [sflag:s6], $0x500  }
0x19d: {  	[sflag:s6] =	ssyncset.done $0x0  }
0x19e: {  	[sflag:s6] =	ssyncadd.s32 $0xFFFFFB00  }
0x19f: {  	_ =	swait.ge [sflag:s6], $0x500  }
0x1a0: {  	[sflag:s6] =	ssyncset.done $0x0  }
0x1a1: {  	[sflag:s6] =	ssyncadd.s32 $0xFFFFFB00  }
0x1a2: {  	_ =	swait.ge [sflag:s6], $0x500  }
0x1a3: {  	[sflag:s6] =	ssyncset.done $0x0  }
0x1a4: {  	[sflag:s6] =	ssyncadd.s32 $0xFFFFFB00  }
0x1a5: {  	_ =	swait.ge [sflag:s6], $0x500  }
0x1a6: {  	[sflag:s6] =	ssyncset.done $0x0  }
0x1a7: {  	[sflag:s6] =	ssyncadd.s32 $0xFFFFFB00  }
0x1a8: {  	_ =	swait.ge [sflag:s6], $0x500  }
0x1a9: {  	[sflag:s6] =	ssyncset.done $0x0  }
0x1aa: {  	s31 =	simm.s32 $0xA410;
	[sflag:s6] =	ssyncadd.s32 $0xFFFFFB00  }
0x1ab: {  	[spmem:s3] =	stream.indirect.scatter.add.f32 [tilespmem:s31], [sflag:$0x1], $0x10, s17, s19, $0xb8;
	[tilespmem:$0x17110] =	vst v63  }
0x1ac: {  	s31 =	simm.s32 $0xA910  }
0x1ad: {  	[spmem:s3] =	stream.indirect.scatter.add.f32 [tilespmem:s31], [sflag:$0x1], $0x10, s23, s19, $0xb8;
	[tilespmem:$0x17110] =	vst v63  }
0x1ae: {  	s31 =	simm.s32 $0xAE10  }
0x1af: {  	[spmem:s3] =	stream.indirect.scatter.add.f32 [tilespmem:s31], [sflag:$0x1], $0x10, s0, s19, $0xb8;
	[tilespmem:$0x17110] =	vst v63  }
0x1b0: {  	s23 =	simm.s32 $0xB310  }
0x1b1: {  	[spmem:s3] =	stream.indirect.scatter.add.f32 [tilespmem:s23], [sflag:$0x1], $0x10, s1, s19, $0xb8;
	[tilespmem:$0x17110] =	vst v63  }
0x1b2: {  	s31 =	simm.s32 $0xB810  }
0x1b3: {  	[spmem:s3] =	stream.indirect.scatter.add.f32 [tilespmem:s31], [sflag:$0x1], $0x10, s4, s19, $0xb8;
	[tilespmem:$0x17110] =	vst v63  }
0x1b4: {  	s4 =	simm.s32 $0xBD10  }
0x1b5: {  	[spmem:s3] =	stream.indirect.scatter.add.f32 [tilespmem:s4], [sflag:$0x1], $0x10, s5, s19, $0xb8;
	[tilespmem:$0x17110] =	vst v63  }
0x1b6: {  	s5 =	simm.s32 $0xC210  }
0x1b7: {  	[spmem:s3] =	stream.indirect.scatter.add.f32 [tilespmem:s5], [sflag:$0x1], $0x10, s7, s19, $0xb8;
	[tilespmem:$0x17110] =	vst v63  }
0x1b8: {  	s7 =	simm.s32 $0xC710  }
0x1b9: {  	[spmem:s3] =	stream.indirect.scatter.add.f32 [tilespmem:s7], [sflag:$0x1], $0x10, s8, s19, $0xb8;
	[tilespmem:$0x17110] =	vst v63  }
0x1ba: {  	s8 =	simm.s32 $0xCC10  }
0x1bb: {  	[spmem:s3] =	stream.indirect.scatter.add.f32 [tilespmem:s8], [sflag:$0x1], $0x10, s9, s19, $0xb8;
	[tilespmem:$0x17110] =	vst v63  }
0x1bc: {  	s9 =	simm.s32 $0xD110  }
0x1bd: {  	[spmem:s3] =	stream.indirect.scatter.add.f32 [tilespmem:s9], [sflag:$0x1], $0x10, s10, s19, $0xb8;
	[tilespmem:$0x17110] =	vst v63  }
0x1be: {  	s10 =	simm.s32 $0xD610  }
0x1bf: {  	[spmem:s3] =	stream.indirect.scatter.add.f32 [tilespmem:s10], [sflag:$0x1], $0x10, s11, s19, $0xb8;
	[tilespmem:$0x17110] =	vst v63  }
0x1c0: {  	s11 =	simm.s32 $0xDB10  }
0x1c1: {  	[spmem:s3] =	stream.indirect.scatter.add.f32 [tilespmem:s11], [sflag:$0x1], $0x10, s12, s19, $0xb8;
	[tilespmem:$0x17110] =	vst v63  }
0x1c2: {  	s12 =	simm.s32 $0xE010  }
0x1c3: {  	[spmem:s3] =	stream.indirect.scatter.add.f32 [tilespmem:s12], [sflag:$0x1], $0x10, s13, s19, $0xb8;
	[tilespmem:$0x17110] =	vst v63  }
0x1c4: {  	s13 =	simm.s32 $0xE510  }
0x1c5: {  	[spmem:s3] =	stream.indirect.scatter.add.f32 [tilespmem:s13], [sflag:$0x1], $0x10, s14, s19, $0xb8;
	[tilespmem:$0x17110] =	vst v63  }
0x1c6: {  	s14 =	simm.s32 $0xEA10  }
0x1c7: {  	[spmem:s3] =	stream.indirect.scatter.add.f32 [tilespmem:s14], [sflag:$0x1], $0x10, s15, s19, $0xb8;
	[tilespmem:$0x17110] =	vst v63  }
0x1c8: {  	s15 =	simm.s32 $0xEF10  }
0x1c9: {  	[spmem:s3] =	stream.indirect.scatter.add.f32 [tilespmem:s15], [sflag:$0x1], $0x10, s16, s19, $0xb8;
	[tilespmem:$0x17110] =	vst v63  }
0x1ca: {  	s17 =	simm.s32 $0xF410  }
0x1cb: {  	[spmem:s3] =	stream.indirect.scatter.add.f32 [tilespmem:s17], [sflag:$0x1], $0x10, s18, s19, $0xb8;
	[tilespmem:$0x17110] =	vst v63  }
0x1cc: {  	s18 =	simm.s32 $0xF910  }
0x1cd: {  	[spmem:s3] =	stream.indirect.scatter.add.f32 [tilespmem:s18], [sflag:$0x1], $0x10, s20, s19, $0xb8;
	[tilespmem:$0x17110] =	vst v63  }
0x1ce: {  	s20 =	simm.s32 $0xFE10  }
0x1cf: {  	[spmem:s3] =	stream.indirect.scatter.add.f32 [tilespmem:s20], [sflag:$0x1], $0x10, s21, s19, $0xb8;
	[tilespmem:$0x17110] =	vst v63  }
0x1d0: {  	s21 =	simm.s32 $0x10310  }
0x1d1: {  	[spmem:s3] =	stream.indirect.scatter.add.f32 [tilespmem:s21], [sflag:$0x1], $0x10, s22, s19, $0xb8;
	[tilespmem:$0x17110] =	vst v63  }
0x1d2: {  	s23 =	simm.s32 $0x10810  }
0x1d3: {  	[spmem:s3] =	stream.indirect.scatter.add.f32 [tilespmem:s23], [sflag:$0x1], $0x10, s24, s19, $0xb8;
	[tilespmem:$0x17110] =	vst v63  }
0x1d4: {  	s24 =	simm.s32 $0x10D10  }
0x1d5: {  	[spmem:s3] =	stream.indirect.scatter.add.f32 [tilespmem:s24], [sflag:$0x1], $0x10, s25, s19, $0xb8;
	[tilespmem:$0x17110] =	vst v63  }
0x1d6: {  	s25 =	simm.s32 $0x11210  }
0x1d7: {  	[spmem:s3] =	stream.indirect.scatter.add.f32 [tilespmem:s25], [sflag:$0x1], $0x10, s26, s19, $0xb8;
	[tilespmem:$0x17110] =	vst v63  }
0x1d8: {  	s31 =	simm.s32 $0x11710  }
0x1d9: {  	[spmem:s3] =	stream.indirect.scatter.add.f32 [tilespmem:s31], [sflag:$0x1], $0x10, s28, s19, $0xb8;
	[tilespmem:$0x17110] =	vst v63  }
0x1da: {  	s4 =	simm.s32 $0x11C10  }
0x1db: {  	[spmem:s3] =	stream.indirect.scatter.add.f32 [tilespmem:s4], [sflag:$0x1], $0x10, s29, s19, $0xb8;
	[tilespmem:$0x17110] =	vst v63  }
0x1dc: {  	_ =	swait.ge [sflag:s6], $0x500  }
0x1dd: {  	[sflag:s6] =	ssyncset.done $0x0  }
0x1de: {  	[sflag:s6] =	ssyncadd.s32 $0xFFFFFB00  }
0x1df: {  	_ =	swait.ge [sflag:s6], $0x500  }
0x1e0: {  	[sflag:s6] =	ssyncset.done $0x0  }
0x1e1: {  	[sflag:s6] =	ssyncadd.s32 $0xFFFFFB00  }
0x1e2: {  	_ =	swait.ge [sflag:s6], $0x500  }
0x1e3: {  	[sflag:s6] =	ssyncset.done $0x0  }
0x1e4: {  	[sflag:s6] =	ssyncadd.s32 $0xFFFFFB00  }
0x1e5: {  	_ =	swait.ge [sflag:s6], $0x500  }
0x1e6: {  	[sflag:s6] =	ssyncset.done $0x0  }
0x1e7: {  	[sflag:s6] =	ssyncadd.s32 $0xFFFFFB00  }
0x1e8: {  	_ =	swait.ge [sflag:s6], $0x500  }
0x1e9: {  	[sflag:s6] =	ssyncset.done $0x0  }
0x1ea: {  	[sflag:s6] =	ssyncadd.s32 $0xFFFFFB00  }
0x1eb: {  	_ =	swait.ge [sflag:s6], $0x500  }
0x1ec: {  	[sflag:s6] =	ssyncset.done $0x0  }
0x1ed: {  	[sflag:s6] =	ssyncadd.s32 $0xFFFFFB00  }
0x1ee: {  	_ =	swait.ge [sflag:s6], $0x500  }
0x1ef: {  	[sflag:s6] =	ssyncset.done $0x0  }
0x1f0: {  	[sflag:s6] =	ssyncadd.s32 $0xFFFFFB00  }
0x1f1: {  	_ =	swait.ge [sflag:s6], $0x500  }
0x1f2: {  	[sflag:s6] =	ssyncset.done $0x0  }
0x1f3: {  	[sflag:s6] =	ssyncadd.s32 $0xFFFFFB00  }
0x1f4: {  	_ =	swait.ge [sflag:s6], $0x500  }
0x1f5: {  	[sflag:s6] =	ssyncset.done $0x0  }
0x1f6: {  	[sflag:s6] =	ssyncadd.s32 $0xFFFFFB00  }
0x1f7: {  	_ =	swait.ge [sflag:s6], $0x500  }
0x1f8: {  	[sflag:s6] =	ssyncset.done $0x0  }
0x1f9: {  	[sflag:s6] =	ssyncadd.s32 $0xFFFFFB00  }
0x1fa: {  	_ =	swait.ge [sflag:s6], $0x500  }
0x1fb: {  	[sflag:s6] =	ssyncset.done $0x0  }
0x1fc: {  	[sflag:s6] =	ssyncadd.s32 $0xFFFFFB00  }
0x1fd: {  	_ =	swait.ge [sflag:s6], $0x500  }
0x1fe: {  	[sflag:s6] =	ssyncset.done $0x0  }
0x1ff: {  	[sflag:s6] =	ssyncadd.s32 $0xFFFFFB00  }
0x200: {  	_ =	swait.ge [sflag:s6], $0x500  }
0x201: {  	[sflag:s6] =	ssyncset.done $0x0  }
0x202: {  	[sflag:s6] =	ssyncadd.s32 $0xFFFFFB00  }
0x203: {  	_ =	swait.ge [sflag:s6], $0x500  }
0x204: {  	[sflag:s6] =	ssyncset.done $0x0  }
0x205: {  	[sflag:s6] =	ssyncadd.s32 $0xFFFFFB00  }
0x206: {  	_ =	swait.ge [sflag:s6], $0x500  }
0x207: {  	[sflag:s6] =	ssyncset.done $0x0  }
0x208: {  	[sflag:s6] =	ssyncadd.s32 $0xFFFFFB00  }
0x209: {  	_ =	swait.ge [sflag:s6], $0x500  }
0x20a: {  	[sflag:s6] =	ssyncset.done $0x0  }
0x20b: {  	[sflag:s6] =	ssyncadd.s32 $0xFFFFFB00  }
0x20c: {  	_ =	swait.ge [sflag:s6], $0x500  }
0x20d: {  	[sflag:s6] =	ssyncset.done $0x0  }
0x20e: {  	[sflag:s6] =	ssyncadd.s32 $0xFFFFFB00  }
0x20f: {  	_ =	swait.ge [sflag:s6], $0x500  }
0x210: {  	[sflag:s6] =	ssyncset.done $0x0  }
0x211: {  	[sflag:s6] =	ssyncadd.s32 $0xFFFFFB00  }
0x212: {  	_ =	swait.ge [sflag:s6], $0x500  }
0x213: {  	[sflag:s6] =	ssyncset.done $0x0  }
0x214: {  	[sflag:s6] =	ssyncadd.s32 $0xFFFFFB00  }
0x215: {  	_ =	swait.ge [sflag:s6], $0x500  }
0x216: {  	[sflag:s6] =	ssyncset.done $0x0  }
0x217: {  	[sflag:s6] =	ssyncadd.s32 $0xFFFFFB00  }
0x218: {  	_ =	swait.ge [sflag:s6], $0x500  }
0x219: {  	[sflag:s6] =	ssyncset.done $0x0  }
0x21a: {  	[sflag:s6] =	ssyncadd.s32 $0xFFFFFB00  }
0x21b: {  	_ =	swait.ge [sflag:s6], $0x500  }
0x21c: {  	[sflag:s6] =	ssyncset.done $0x0  }
0x21d: {  	[sflag:s6] =	ssyncadd.s32 $0xFFFFFB00  }
0x21e: {  	_ =	swait.ge [sflag:s6], $0x500  }
0x21f: {  	[sflag:s6] =	ssyncset.done $0x0  }
0x220: {  	[sflag:s6] =	ssyncadd.s32 $0xFFFFFB00  }
0x221: {  	_ =	swait.ge [sflag:s6], $0x500  }
0x222: {  	[sflag:s6] =	ssyncset.done $0x0  }
0x223: {  	[sflag:s6] =	ssyncadd.s32 $0xFFFFFB00  }
0x224: {  	_ =	swait.ge [sflag:s6], $0x500  }
0x225: {  	s30 =	simm.s32 $0x0;
	[sflag:s6] =	ssyncset.done $0x0  }
0x226: {  	s1 =	simm.s32 $0x2;
	s5 =	rddreg [dreg:$0xa];
	[sflag:s6] =	ssyncadd.s32 $0xFFFFFB00  }
0x227: {  	[tilespmem:s30], [sflag:$0x2] =	stream.linear.gather [hbm4b:s5+s30], $0x7D00, $0x38;
	[tilespmem:$0x17110] =	vst v63  }
0x228: {  	_ =	swait.ge [sflag:s1], $0x7D00  }
0x229: {  	[sflag:s1] =	ssyncset.done $0x0  }
0x22a: {  	s0 =	simm.s32 $0x8CA0;
	[sflag:s1] =	ssyncadd.s32 $0xFFFF8300  }
0x22b: {  	[spmem:s2] =	stream.indirect.scatter.add.f32 [tilespmem:s30], [sflag:$0x1], $0x10, s0, s19, $0xb8;
	[tilespmem:$0x17110] =	vst v63  }
0x22c: {  	s7 =	simm.s32 $0x500;
	s4 =	simm.s32 $0x8CF0  }
0x22d: {  	[spmem:s2] =	stream.indirect.scatter.add.f32 [tilespmem:s7], [sflag:$0x1], $0x10, s4, s19, $0xb8;
	[tilespmem:$0x17110] =	vst v63  }
0x22e: {  	s8 =	simm.s32 $0xA00;
	s5 =	simm.s32 $0x8D40  }
0x22f: {  	[spmem:s2] =	stream.indirect.scatter.add.f32 [tilespmem:s8], [sflag:$0x1], $0x10, s5, s19, $0xb8;
	[tilespmem:$0x17110] =	vst v63  }
0x230: {  	s9 =	simm.s32 $0xF00;
	s7 =	simm.s32 $0x8D90  }
0x231: {  	[spmem:s2] =	stream.indirect.scatter.add.f32 [tilespmem:s9], [sflag:$0x1], $0x10, s7, s19, $0xb8;
	[tilespmem:$0x17110] =	vst v63  }
0x232: {  	s10 =	simm.s32 $0x1400;
	s8 =	simm.s32 $0x8DE0  }
0x233: {  	[spmem:s2] =	stream.indirect.scatter.add.f32 [tilespmem:s10], [sflag:$0x1], $0x10, s8, s19, $0xb8;
	[tilespmem:$0x17110] =	vst v63  }
0x234: {  	s11 =	simm.s32 $0x1900;
	s9 =	simm.s32 $0x8E30  }
0x235: {  	[spmem:s2] =	stream.indirect.scatter.add.f32 [tilespmem:s11], [sflag:$0x1], $0x10, s9, s19, $0xb8;
	[tilespmem:$0x17110] =	vst v63  }
0x236: {  	s12 =	simm.s32 $0x1E00;
	s10 =	simm.s32 $0x8E80  }
0x237: {  	[spmem:s2] =	stream.indirect.scatter.add.f32 [tilespmem:s12], [sflag:$0x1], $0x10, s10, s19, $0xb8;
	[tilespmem:$0x17110] =	vst v63  }
0x238: {  	s13 =	simm.s32 $0x2300;
	s11 =	simm.s32 $0x8ED0  }
0x239: {  	[spmem:s2] =	stream.indirect.scatter.add.f32 [tilespmem:s13], [sflag:$0x1], $0x10, s11, s19, $0xb8;
	[tilespmem:$0x17110] =	vst v63  }
0x23a: {  	s14 =	simm.s32 $0x2800;
	s12 =	simm.s32 $0x8F20  }
0x23b: {  	[spmem:s2] =	stream.indirect.scatter.add.f32 [tilespmem:s14], [sflag:$0x1], $0x10, s12, s19, $0xb8;
	[tilespmem:$0x17110] =	vst v63  }
0x23c: {  	s15 =	simm.s32 $0x2D00;
	s13 =	simm.s32 $0x8F70  }
0x23d: {  	[spmem:s2] =	stream.indirect.scatter.add.f32 [tilespmem:s15], [sflag:$0x1], $0x10, s13, s19, $0xb8;
	[tilespmem:$0x17110] =	vst v63  }
0x23e: {  	s16 =	simm.s32 $0x3200;
	s14 =	simm.s32 $0x8FC0  }
0x23f: {  	[spmem:s2] =	stream.indirect.scatter.add.f32 [tilespmem:s16], [sflag:$0x1], $0x10, s14, s19, $0xb8;
	[tilespmem:$0x17110] =	vst v63  }
0x240: {  	s17 =	simm.s32 $0x3700;
	s15 =	simm.s32 $0x9010  }
0x241: {  	[spmem:s2] =	stream.indirect.scatter.add.f32 [tilespmem:s17], [sflag:$0x1], $0x10, s15, s19, $0xb8;
	[tilespmem:$0x17110] =	vst v63  }
0x242: {  	s18 =	simm.s32 $0x3C00;
	s16 =	simm.s32 $0x9060  }
0x243: {  	[spmem:s2] =	stream.indirect.scatter.add.f32 [tilespmem:s18], [sflag:$0x1], $0x10, s16, s19, $0xb8;
	[tilespmem:$0x17110] =	vst v63  }
0x244: {  	s20 =	simm.s32 $0x4100;
	s17 =	simm.s32 $0x90B0  }
0x245: {  	[spmem:s2] =	stream.indirect.scatter.add.f32 [tilespmem:s20], [sflag:$0x1], $0x10, s17, s19, $0xb8;
	[tilespmem:$0x17110] =	vst v63  }
0x246: {  	s21 =	simm.s32 $0x4600;
	s18 =	simm.s32 $0x9100  }
0x247: {  	[spmem:s2] =	stream.indirect.scatter.add.f32 [tilespmem:s21], [sflag:$0x1], $0x10, s18, s19, $0xb8;
	[tilespmem:$0x17110] =	vst v63  }
0x248: {  	s22 =	simm.s32 $0x4B00;
	s20 =	simm.s32 $0x9150  }
0x249: {  	[spmem:s2] =	stream.indirect.scatter.add.f32 [tilespmem:s22], [sflag:$0x1], $0x10, s20, s19, $0xb8;
	[tilespmem:$0x17110] =	vst v63  }
0x24a: {  	s23 =	simm.s32 $0x5000;
	s21 =	simm.s32 $0x91A0  }
0x24b: {  	[spmem:s2] =	stream.indirect.scatter.add.f32 [tilespmem:s23], [sflag:$0x1], $0x10, s21, s19, $0xb8;
	[tilespmem:$0x17110] =	vst v63  }
0x24c: {  	s24 =	simm.s32 $0x5500;
	s22 =	simm.s32 $0x91F0  }
0x24d: {  	[spmem:s2] =	stream.indirect.scatter.add.f32 [tilespmem:s24], [sflag:$0x1], $0x10, s22, s19, $0xb8;
	[tilespmem:$0x17110] =	vst v63  }
0x24e: {  	s25 =	simm.s32 $0x5A00;
	s23 =	simm.s32 $0x9240  }
0x24f: {  	[spmem:s2] =	stream.indirect.scatter.add.f32 [tilespmem:s25], [sflag:$0x1], $0x10, s23, s19, $0xb8;
	[tilespmem:$0x17110] =	vst v63  }
0x250: {  	s26 =	simm.s32 $0x5F00;
	s24 =	simm.s32 $0x9290  }
0x251: {  	[spmem:s2] =	stream.indirect.scatter.add.f32 [tilespmem:s26], [sflag:$0x1], $0x10, s24, s19, $0xb8;
	[tilespmem:$0x17110] =	vst v63  }
0x252: {  	s28 =	simm.s32 $0x6400;
	s25 =	simm.s32 $0x92E0  }
0x253: {  	[spmem:s2] =	stream.indirect.scatter.add.f32 [tilespmem:s28], [sflag:$0x1], $0x10, s25, s19, $0xb8;
	[tilespmem:$0x17110] =	vst v63  }
0x254: {  	s29 =	simm.s32 $0x6900;
	s26 =	simm.s32 $0x9330  }
0x255: {  	[spmem:s2] =	stream.indirect.scatter.add.f32 [tilespmem:s29], [sflag:$0x1], $0x10, s26, s19, $0xb8;
	[tilespmem:$0x17110] =	vst v63  }
0x256: {  	s30 =	simm.s32 $0x6E00;
	s28 =	simm.s32 $0x9380  }
0x257: {  	[spmem:s2] =	stream.indirect.scatter.add.f32 [tilespmem:s30], [sflag:$0x1], $0x10, s28, s19, $0xb8;
	[tilespmem:$0x17110] =	vst v63  }
0x258: {  	s31 =	simm.s32 $0x7300;
	s29 =	simm.s32 $0x93D0  }
0x259: {  	[spmem:s2] =	stream.indirect.scatter.add.f32 [tilespmem:s31], [sflag:$0x1], $0x10, s29, s19, $0xb8;
	[tilespmem:$0x17110] =	vst v63  }
0x25a: {  	s30 =	simm.s32 $0x9420;
	s31 =	simm.s32 $0x7800  }
0x25b: {  	[spmem:s2] =	stream.indirect.scatter.add.f32 [tilespmem:s31], [sflag:$0x1], $0x10, s30, s19, $0xb8;
	[tilespmem:$0x17110] =	vst v63  }
0x25c: {  	_ =	swait.ge [sflag:s6], $0x500  }
0x25d: {  	[sflag:s6] =	ssyncset.done $0x0  }
0x25e: {  	[sflag:s6] =	ssyncadd.s32 $0xFFFFFB00  }
0x25f: {  	_ =	swait.ge [sflag:s6], $0x500  }
0x260: {  	[sflag:s6] =	ssyncset.done $0x0  }
0x261: {  	[sflag:s6] =	ssyncadd.s32 $0xFFFFFB00  }
0x262: {  	_ =	swait.ge [sflag:s6], $0x500  }
0x263: {  	[sflag:s6] =	ssyncset.done $0x0  }
0x264: {  	[sflag:s6] =	ssyncadd.s32 $0xFFFFFB00  }
0x265: {  	_ =	swait.ge [sflag:s6], $0x500  }
0x266: {  	[sflag:s6] =	ssyncset.done $0x0  }
0x267: {  	[sflag:s6] =	ssyncadd.s32 $0xFFFFFB00  }
0x268: {  	_ =	swait.ge [sflag:s6], $0x500  }
0x269: {  	[sflag:s6] =	ssyncset.done $0x0  }
0x26a: {  	[sflag:s6] =	ssyncadd.s32 $0xFFFFFB00  }
0x26b: {  	_ =	swait.ge [sflag:s6], $0x500  }
0x26c: {  	[sflag:s6] =	ssyncset.done $0x0  }
0x26d: {  	[sflag:s6] =	ssyncadd.s32 $0xFFFFFB00  }
0x26e: {  	_ =	swait.ge [sflag:s6], $0x500  }
0x26f: {  	[sflag:s6] =	ssyncset.done $0x0  }
0x270: {  	[sflag:s6] =	ssyncadd.s32 $0xFFFFFB00  }
0x271: {  	_ =	swait.ge [sflag:s6], $0x500  }
0x272: {  	[sflag:s6] =	ssyncset.done $0x0  }
0x273: {  	[sflag:s6] =	ssyncadd.s32 $0xFFFFFB00  }
0x274: {  	_ =	swait.ge [sflag:s6], $0x500  }
0x275: {  	[sflag:s6] =	ssyncset.done $0x0  }
0x276: {  	[sflag:s6] =	ssyncadd.s32 $0xFFFFFB00  }
0x277: {  	_ =	swait.ge [sflag:s6], $0x500  }
0x278: {  	[sflag:s6] =	ssyncset.done $0x0  }
0x279: {  	[sflag:s6] =	ssyncadd.s32 $0xFFFFFB00  }
0x27a: {  	_ =	swait.ge [sflag:s6], $0x500  }
0x27b: {  	[sflag:s6] =	ssyncset.done $0x0  }
0x27c: {  	[sflag:s6] =	ssyncadd.s32 $0xFFFFFB00  }
0x27d: {  	_ =	swait.ge [sflag:s6], $0x500  }
0x27e: {  	[sflag:s6] =	ssyncset.done $0x0  }
0x27f: {  	[sflag:s6] =	ssyncadd.s32 $0xFFFFFB00  }
0x280: {  	_ =	swait.ge [sflag:s6], $0x500  }
0x281: {  	[sflag:s6] =	ssyncset.done $0x0  }
0x282: {  	[sflag:s6] =	ssyncadd.s32 $0xFFFFFB00  }
0x283: {  	_ =	swait.ge [sflag:s6], $0x500  }
0x284: {  	[sflag:s6] =	ssyncset.done $0x0  }
0x285: {  	[sflag:s6] =	ssyncadd.s32 $0xFFFFFB00  }
0x286: {  	_ =	swait.ge [sflag:s6], $0x500  }
0x287: {  	[sflag:s6] =	ssyncset.done $0x0  }
0x288: {  	[sflag:s6] =	ssyncadd.s32 $0xFFFFFB00  }
0x289: {  	_ =	swait.ge [sflag:s6], $0x500  }
0x28a: {  	[sflag:s6] =	ssyncset.done $0x0  }
0x28b: {  	[sflag:s6] =	ssyncadd.s32 $0xFFFFFB00  }
0x28c: {  	_ =	swait.ge [sflag:s6], $0x500  }
0x28d: {  	[sflag:s6] =	ssyncset.done $0x0  }
0x28e: {  	[sflag:s6] =	ssyncadd.s32 $0xFFFFFB00  }
0x28f: {  	_ =	swait.ge [sflag:s6], $0x500  }
0x290: {  	[sflag:s6] =	ssyncset.done $0x0  }
0x291: {  	[sflag:s6] =	ssyncadd.s32 $0xFFFFFB00  }
0x292: {  	_ =	swait.ge [sflag:s6], $0x500  }
0x293: {  	[sflag:s6] =	ssyncset.done $0x0  }
0x294: {  	[sflag:s6] =	ssyncadd.s32 $0xFFFFFB00  }
0x295: {  	_ =	swait.ge [sflag:s6], $0x500  }
0x296: {  	[sflag:s6] =	ssyncset.done $0x0  }
0x297: {  	[sflag:s6] =	ssyncadd.s32 $0xFFFFFB00  }
0x298: {  	_ =	swait.ge [sflag:s6], $0x500  }
0x299: {  	[sflag:s6] =	ssyncset.done $0x0  }
0x29a: {  	[sflag:s6] =	ssyncadd.s32 $0xFFFFFB00  }
0x29b: {  	_ =	swait.ge [sflag:s6], $0x500  }
0x29c: {  	[sflag:s6] =	ssyncset.done $0x0  }
0x29d: {  	[sflag:s6] =	ssyncadd.s32 $0xFFFFFB00  }
0x29e: {  	_ =	swait.ge [sflag:s6], $0x500  }
0x29f: {  	[sflag:s6] =	ssyncset.done $0x0  }
0x2a0: {  	[sflag:s6] =	ssyncadd.s32 $0xFFFFFB00  }
0x2a1: {  	_ =	swait.ge [sflag:s6], $0x500  }
0x2a2: {  	[sflag:s6] =	ssyncset.done $0x0  }
0x2a3: {  	[sflag:s6] =	ssyncadd.s32 $0xFFFFFB00  }
0x2a4: {  	_ =	swait.ge [sflag:s6], $0x500  }
0x2a5: {  	[sflag:s6] =	ssyncset.done $0x0  }
0x2a6: {  	s31 =	simm.s32 $0xA410;
	[sflag:s6] =	ssyncadd.s32 $0xFFFFFB00  }
0x2a7: {  	[spmem:s3] =	stream.indirect.scatter.add.f32 [tilespmem:s31], [sflag:$0x1], $0x10, s0, s19, $0xb8;
	[tilespmem:$0x17110] =	vst v63  }
0x2a8: {  	s31 =	simm.s32 $0xA910  }
0x2a9: {  	[spmem:s3] =	stream.indirect.scatter.add.f32 [tilespmem:s31], [sflag:$0x1], $0x10, s4, s19, $0xb8;
	[tilespmem:$0x17110] =	vst v63  }
0x2aa: {  	s4 =	simm.s32 $0xAE10  }
0x2ab: {  	[spmem:s3] =	stream.indirect.scatter.add.f32 [tilespmem:s4], [sflag:$0x1], $0x10, s5, s19, $0xb8;
	[tilespmem:$0x17110] =	vst v63  }
0x2ac: {  	s5 =	simm.s32 $0xB310  }
0x2ad: {  	[spmem:s3] =	stream.indirect.scatter.add.f32 [tilespmem:s5], [sflag:$0x1], $0x10, s7, s19, $0xb8;
	[tilespmem:$0x17110] =	vst v63  }
0x2ae: {  	s7 =	simm.s32 $0xB810  }
0x2af: {  	[spmem:s3] =	stream.indirect.scatter.add.f32 [tilespmem:s7], [sflag:$0x1], $0x10, s8, s19, $0xb8;
	[tilespmem:$0x17110] =	vst v63  }
0x2b0: {  	s8 =	simm.s32 $0xBD10  }
0x2b1: {  	[spmem:s3] =	stream.indirect.scatter.add.f32 [tilespmem:s8], [sflag:$0x1], $0x10, s9, s19, $0xb8;
	[tilespmem:$0x17110] =	vst v63  }
0x2b2: {  	s9 =	simm.s32 $0xC210  }
0x2b3: {  	[spmem:s3] =	stream.indirect.scatter.add.f32 [tilespmem:s9], [sflag:$0x1], $0x10, s10, s19, $0xb8;
	[tilespmem:$0x17110] =	vst v63  }
0x2b4: {  	s10 =	simm.s32 $0xC710  }
0x2b5: {  	[spmem:s3] =	stream.indirect.scatter.add.f32 [tilespmem:s10], [sflag:$0x1], $0x10, s11, s19, $0xb8;
	[tilespmem:$0x17110] =	vst v63  }
0x2b6: {  	s11 =	simm.s32 $0xCC10  }
0x2b7: {  	[spmem:s3] =	stream.indirect.scatter.add.f32 [tilespmem:s11], [sflag:$0x1], $0x10, s12, s19, $0xb8;
	[tilespmem:$0x17110] =	vst v63  }
0x2b8: {  	s12 =	simm.s32 $0xD110  }
0x2b9: {  	[spmem:s3] =	stream.indirect.scatter.add.f32 [tilespmem:s12], [sflag:$0x1], $0x10, s13, s19, $0xb8;
	[tilespmem:$0x17110] =	vst v63  }
0x2ba: {  	s13 =	simm.s32 $0xD610  }
0x2bb: {  	[spmem:s3] =	stream.indirect.scatter.add.f32 [tilespmem:s13], [sflag:$0x1], $0x10, s14, s19, $0xb8;
	[tilespmem:$0x17110] =	vst v63  }
0x2bc: {  	s14 =	simm.s32 $0xDB10  }
0x2bd: {  	[spmem:s3] =	stream.indirect.scatter.add.f32 [tilespmem:s14], [sflag:$0x1], $0x10, s15, s19, $0xb8;
	[tilespmem:$0x17110] =	vst v63  }
0x2be: {  	s15 =	simm.s32 $0xE010  }
0x2bf: {  	[spmem:s3] =	stream.indirect.scatter.add.f32 [tilespmem:s15], [sflag:$0x1], $0x10, s16, s19, $0xb8;
	[tilespmem:$0x17110] =	vst v63  }
0x2c0: {  	s16 =	simm.s32 $0xE510  }
0x2c1: {  	[spmem:s3] =	stream.indirect.scatter.add.f32 [tilespmem:s16], [sflag:$0x1], $0x10, s17, s19, $0xb8;
	[tilespmem:$0x17110] =	vst v63  }
0x2c2: {  	s17 =	simm.s32 $0xEA10  }
0x2c3: {  	[spmem:s3] =	stream.indirect.scatter.add.f32 [tilespmem:s17], [sflag:$0x1], $0x10, s18, s19, $0xb8;
	[tilespmem:$0x17110] =	vst v63  }
0x2c4: {  	s18 =	simm.s32 $0xEF10  }
0x2c5: {  	[spmem:s3] =	stream.indirect.scatter.add.f32 [tilespmem:s18], [sflag:$0x1], $0x10, s20, s19, $0xb8;
	[tilespmem:$0x17110] =	vst v63  }
0x2c6: {  	s20 =	simm.s32 $0xF410  }
0x2c7: {  	[spmem:s3] =	stream.indirect.scatter.add.f32 [tilespmem:s20], [sflag:$0x1], $0x10, s21, s19, $0xb8;
	[tilespmem:$0x17110] =	vst v63  }
0x2c8: {  	s21 =	simm.s32 $0xF910  }
0x2c9: {  	[spmem:s3] =	stream.indirect.scatter.add.f32 [tilespmem:s21], [sflag:$0x1], $0x10, s22, s19, $0xb8;
	[tilespmem:$0x17110] =	vst v63  }
0x2ca: {  	s22 =	simm.s32 $0xFE10  }
0x2cb: {  	[spmem:s3] =	stream.indirect.scatter.add.f32 [tilespmem:s22], [sflag:$0x1], $0x10, s23, s19, $0xb8;
	[tilespmem:$0x17110] =	vst v63  }
0x2cc: {  	s23 =	simm.s32 $0x10310  }
0x2cd: {  	[spmem:s3] =	stream.indirect.scatter.add.f32 [tilespmem:s23], [sflag:$0x1], $0x10, s24, s19, $0xb8;
	[tilespmem:$0x17110] =	vst v63  }
0x2ce: {  	s24 =	simm.s32 $0x10810  }
0x2cf: {  	[spmem:s3] =	stream.indirect.scatter.add.f32 [tilespmem:s24], [sflag:$0x1], $0x10, s25, s19, $0xb8;
	[tilespmem:$0x17110] =	vst v63  }
0x2d0: {  	s25 =	simm.s32 $0x10D10  }
0x2d1: {  	[spmem:s3] =	stream.indirect.scatter.add.f32 [tilespmem:s25], [sflag:$0x1], $0x10, s26, s19, $0xb8;
	[tilespmem:$0x17110] =	vst v63  }
0x2d2: {  	s26 =	simm.s32 $0x11210  }
0x2d3: {  	[spmem:s3] =	stream.indirect.scatter.add.f32 [tilespmem:s26], [sflag:$0x1], $0x10, s28, s19, $0xb8;
	[tilespmem:$0x17110] =	vst v63  }
0x2d4: {  	s28 =	simm.s32 $0x11710  }
0x2d5: {  	[spmem:s3] =	stream.indirect.scatter.add.f32 [tilespmem:s28], [sflag:$0x1], $0x10, s29, s19, $0xb8;
	[tilespmem:$0x17110] =	vst v63  }
0x2d6: {  	s31 =	simm.s32 $0x11C10  }
0x2d7: {  	[spmem:s3] =	stream.indirect.scatter.add.f32 [tilespmem:s31], [sflag:$0x1], $0x10, s30, s19, $0xb8;
	[tilespmem:$0x17110] =	vst v63  }
0x2d8: {  	_ =	swait.ge [sflag:s6], $0x500  }
0x2d9: {  	[sflag:s6] =	ssyncset.done $0x0  }
0x2da: {  	[sflag:s6] =	ssyncadd.s32 $0xFFFFFB00  }
0x2db: {  	_ =	swait.ge [sflag:s6], $0x500  }
0x2dc: {  	[sflag:s6] =	ssyncset.done $0x0  }
0x2dd: {  	[sflag:s6] =	ssyncadd.s32 $0xFFFFFB00  }
0x2de: {  	_ =	swait.ge [sflag:s6], $0x500  }
0x2df: {  	[sflag:s6] =	ssyncset.done $0x0  }
0x2e0: {  	[sflag:s6] =	ssyncadd.s32 $0xFFFFFB00  }
0x2e1: {  	_ =	swait.ge [sflag:s6], $0x500  }
0x2e2: {  	[sflag:s6] =	ssyncset.done $0x0  }
0x2e3: {  	[sflag:s6] =	ssyncadd.s32 $0xFFFFFB00  }
0x2e4: {  	_ =	swait.ge [sflag:s6], $0x500  }
0x2e5: {  	[sflag:s6] =	ssyncset.done $0x0  }
0x2e6: {  	[sflag:s6] =	ssyncadd.s32 $0xFFFFFB00  }
0x2e7: {  	_ =	swait.ge [sflag:s6], $0x500  }
0x2e8: {  	[sflag:s6] =	ssyncset.done $0x0  }
0x2e9: {  	[sflag:s6] =	ssyncadd.s32 $0xFFFFFB00  }
0x2ea: {  	_ =	swait.ge [sflag:s6], $0x500  }
0x2eb: {  	[sflag:s6] =	ssyncset.done $0x0  }
0x2ec: {  	[sflag:s6] =	ssyncadd.s32 $0xFFFFFB00  }
0x2ed: {  	_ =	swait.ge [sflag:s6], $0x500  }
0x2ee: {  	[sflag:s6] =	ssyncset.done $0x0  }
0x2ef: {  	[sflag:s6] =	ssyncadd.s32 $0xFFFFFB00  }
0x2f0: {  	_ =	swait.ge [sflag:s6], $0x500  }
0x2f1: {  	[sflag:s6] =	ssyncset.done $0x0  }
0x2f2: {  	[sflag:s6] =	ssyncadd.s32 $0xFFFFFB00  }
0x2f3: {  	_ =	swait.ge [sflag:s6], $0x500  }
0x2f4: {  	[sflag:s6] =	ssyncset.done $0x0  }
0x2f5: {  	[sflag:s6] =	ssyncadd.s32 $0xFFFFFB00  }
0x2f6: {  	_ =	swait.ge [sflag:s6], $0x500  }
0x2f7: {  	[sflag:s6] =	ssyncset.done $0x0  }
0x2f8: {  	[sflag:s6] =	ssyncadd.s32 $0xFFFFFB00  }
0x2f9: {  	_ =	swait.ge [sflag:s6], $0x500  }
0x2fa: {  	[sflag:s6] =	ssyncset.done $0x0  }
0x2fb: {  	[sflag:s6] =	ssyncadd.s32 $0xFFFFFB00  }
0x2fc: {  	_ =	swait.ge [sflag:s6], $0x500  }
0x2fd: {  	[sflag:s6] =	ssyncset.done $0x0  }
0x2fe: {  	[sflag:s6] =	ssyncadd.s32 $0xFFFFFB00  }
0x2ff: {  	_ =	swait.ge [sflag:s6], $0x500  }
0x300: {  	[sflag:s6] =	ssyncset.done $0x0  }
0x301: {  	[sflag:s6] =	ssyncadd.s32 $0xFFFFFB00  }
0x302: {  	_ =	swait.ge [sflag:s6], $0x500  }
0x303: {  	[sflag:s6] =	ssyncset.done $0x0  }
0x304: {  	[sflag:s6] =	ssyncadd.s32 $0xFFFFFB00  }
0x305: {  	_ =	swait.ge [sflag:s6], $0x500  }
0x306: {  	[sflag:s6] =	ssyncset.done $0x0  }
0x307: {  	[sflag:s6] =	ssyncadd.s32 $0xFFFFFB00  }
0x308: {  	_ =	swait.ge [sflag:s6], $0x500  }
0x309: {  	[sflag:s6] =	ssyncset.done $0x0  }
0x30a: {  	[sflag:s6] =	ssyncadd.s32 $0xFFFFFB00  }
0x30b: {  	_ =	swait.ge [sflag:s6], $0x500  }
0x30c: {  	[sflag:s6] =	ssyncset.done $0x0  }
0x30d: {  	[sflag:s6] =	ssyncadd.s32 $0xFFFFFB00  }
0x30e: {  	_ =	swait.ge [sflag:s6], $0x500  }
0x30f: {  	[sflag:s6] =	ssyncset.done $0x0  }
0x310: {  	[sflag:s6] =	ssyncadd.s32 $0xFFFFFB00  }
0x311: {  	_ =	swait.ge [sflag:s6], $0x500  }
0x312: {  	[sflag:s6] =	ssyncset.done $0x0  }
0x313: {  	[sflag:s6] =	ssyncadd.s32 $0xFFFFFB00  }
0x314: {  	_ =	swait.ge [sflag:s6], $0x500  }
0x315: {  	[sflag:s6] =	ssyncset.done $0x0  }
0x316: {  	[sflag:s6] =	ssyncadd.s32 $0xFFFFFB00  }
0x317: {  	_ =	swait.ge [sflag:s6], $0x500  }
0x318: {  	[sflag:s6] =	ssyncset.done $0x0  }
0x319: {  	[sflag:s6] =	ssyncadd.s32 $0xFFFFFB00  }
0x31a: {  	_ =	swait.ge [sflag:s6], $0x500  }
0x31b: {  	[sflag:s6] =	ssyncset.done $0x0  }
0x31c: {  	[sflag:s6] =	ssyncadd.s32 $0xFFFFFB00  }
0x31d: {  	_ =	swait.ge [sflag:s6], $0x500  }
0x31e: {  	[sflag:s6] =	ssyncset.done $0x0  }
0x31f: {  	[sflag:s6] =	ssyncadd.s32 $0xFFFFFB00  }
0x320: {  	_ =	swait.ge [sflag:s6], $0x500  }
0x321: {  	[sflag:s6] =	ssyncset.done $0x0  }
0x322: {  	s5 =	simm.s32 $0x0;
	s4 =	rddreg [dreg:$0xb];
	[sflag:s6] =	ssyncadd.s32 $0xFFFFFB00  }
0x323: {  	[tilespmem:s5], [sflag:$0x2] =	stream.linear.gather [hbm4b:s4+s5], $0x7D00, $0x38;
	[tilespmem:$0x17110] =	vst v63  }
0x324: {  	_ =	swait.ge [sflag:s1], $0x7D00  }
0x325: {  	[sflag:s1] =	ssyncset.done $0x0  }
0x326: {  	s0 =	simm.s32 $0x9470;
	[sflag:s1] =	ssyncadd.s32 $0xFFFF8300  }
0x327: {  	[spmem:s2] =	stream.indirect.scatter.add.f32 [tilespmem:s5], [sflag:$0x1], $0x10, s0, s19, $0xb8;
	[tilespmem:$0x17110] =	vst v63  }
0x328: {  	s7 =	simm.s32 $0x500;
	s4 =	simm.s32 $0x94C0  }
0x329: {  	[spmem:s2] =	stream.indirect.scatter.add.f32 [tilespmem:s7], [sflag:$0x1], $0x10, s4, s19, $0xb8;
	[tilespmem:$0x17110] =	vst v63  }
0x32a: {  	s8 =	simm.s32 $0xA00;
	s5 =	simm.s32 $0x9510  }
0x32b: {  	[spmem:s2] =	stream.indirect.scatter.add.f32 [tilespmem:s8], [sflag:$0x1], $0x10, s5, s19, $0xb8;
	[tilespmem:$0x17110] =	vst v63  }
0x32c: {  	s9 =	simm.s32 $0xF00;
	s7 =	simm.s32 $0x9560  }
0x32d: {  	[spmem:s2] =	stream.indirect.scatter.add.f32 [tilespmem:s9], [sflag:$0x1], $0x10, s7, s19, $0xb8;
	[tilespmem:$0x17110] =	vst v63  }
0x32e: {  	s10 =	simm.s32 $0x1400;
	s8 =	simm.s32 $0x95B0  }
0x32f: {  	[spmem:s2] =	stream.indirect.scatter.add.f32 [tilespmem:s10], [sflag:$0x1], $0x10, s8, s19, $0xb8;
	[tilespmem:$0x17110] =	vst v63  }
0x330: {  	s11 =	simm.s32 $0x1900;
	s9 =	simm.s32 $0x9600  }
0x331: {  	[spmem:s2] =	stream.indirect.scatter.add.f32 [tilespmem:s11], [sflag:$0x1], $0x10, s9, s19, $0xb8;
	[tilespmem:$0x17110] =	vst v63  }
0x332: {  	s12 =	simm.s32 $0x1E00;
	s10 =	simm.s32 $0x9650  }
0x333: {  	[spmem:s2] =	stream.indirect.scatter.add.f32 [tilespmem:s12], [sflag:$0x1], $0x10, s10, s19, $0xb8;
	[tilespmem:$0x17110] =	vst v63  }
0x334: {  	s13 =	simm.s32 $0x2300;
	s11 =	simm.s32 $0x96A0  }
0x335: {  	[spmem:s2] =	stream.indirect.scatter.add.f32 [tilespmem:s13], [sflag:$0x1], $0x10, s11, s19, $0xb8;
	[tilespmem:$0x17110] =	vst v63  }
0x336: {  	s14 =	simm.s32 $0x2800;
	s12 =	simm.s32 $0x96F0  }
0x337: {  	[spmem:s2] =	stream.indirect.scatter.add.f32 [tilespmem:s14], [sflag:$0x1], $0x10, s12, s19, $0xb8;
	[tilespmem:$0x17110] =	vst v63  }
0x338: {  	s15 =	simm.s32 $0x2D00;
	s13 =	simm.s32 $0x9740  }
0x339: {  	[spmem:s2] =	stream.indirect.scatter.add.f32 [tilespmem:s15], [sflag:$0x1], $0x10, s13, s19, $0xb8;
	[tilespmem:$0x17110] =	vst v63  }
0x33a: {  	s16 =	simm.s32 $0x3200;
	s14 =	simm.s32 $0x9790  }
0x33b: {  	[spmem:s2] =	stream.indirect.scatter.add.f32 [tilespmem:s16], [sflag:$0x1], $0x10, s14, s19, $0xb8;
	[tilespmem:$0x17110] =	vst v63  }
0x33c: {  	s17 =	simm.s32 $0x3700;
	s15 =	simm.s32 $0x97E0  }
0x33d: {  	[spmem:s2] =	stream.indirect.scatter.add.f32 [tilespmem:s17], [sflag:$0x1], $0x10, s15, s19, $0xb8;
	[tilespmem:$0x17110] =	vst v63  }
0x33e: {  	s18 =	simm.s32 $0x3C00;
	s16 =	simm.s32 $0x9830  }
0x33f: {  	[spmem:s2] =	stream.indirect.scatter.add.f32 [tilespmem:s18], [sflag:$0x1], $0x10, s16, s19, $0xb8;
	[tilespmem:$0x17110] =	vst v63  }
0x340: {  	s20 =	simm.s32 $0x4100;
	s17 =	simm.s32 $0x9880  }
0x341: {  	[spmem:s2] =	stream.indirect.scatter.add.f32 [tilespmem:s20], [sflag:$0x1], $0x10, s17, s19, $0xb8;
	[tilespmem:$0x17110] =	vst v63  }
0x342: {  	s21 =	simm.s32 $0x4600;
	s18 =	simm.s32 $0x98D0  }
0x343: {  	[spmem:s2] =	stream.indirect.scatter.add.f32 [tilespmem:s21], [sflag:$0x1], $0x10, s18, s19, $0xb8;
	[tilespmem:$0x17110] =	vst v63  }
0x344: {  	s22 =	simm.s32 $0x4B00;
	s20 =	simm.s32 $0x9920  }
0x345: {  	[spmem:s2] =	stream.indirect.scatter.add.f32 [tilespmem:s22], [sflag:$0x1], $0x10, s20, s19, $0xb8;
	[tilespmem:$0x17110] =	vst v63  }
0x346: {  	s23 =	simm.s32 $0x5000;
	s21 =	simm.s32 $0x9970  }
0x347: {  	[spmem:s2] =	stream.indirect.scatter.add.f32 [tilespmem:s23], [sflag:$0x1], $0x10, s21, s19, $0xb8;
	[tilespmem:$0x17110] =	vst v63  }
0x348: {  	s24 =	simm.s32 $0x5500;
	s22 =	simm.s32 $0x99C0  }
0x349: {  	[spmem:s2] =	stream.indirect.scatter.add.f32 [tilespmem:s24], [sflag:$0x1], $0x10, s22, s19, $0xb8;
	[tilespmem:$0x17110] =	vst v63  }
0x34a: {  	s25 =	simm.s32 $0x5A00;
	s23 =	simm.s32 $0x9A10  }
0x34b: {  	[spmem:s2] =	stream.indirect.scatter.add.f32 [tilespmem:s25], [sflag:$0x1], $0x10, s23, s19, $0xb8;
	[tilespmem:$0x17110] =	vst v63  }
0x34c: {  	s26 =	simm.s32 $0x5F00;
	s24 =	simm.s32 $0x9A60  }
0x34d: {  	[spmem:s2] =	stream.indirect.scatter.add.f32 [tilespmem:s26], [sflag:$0x1], $0x10, s24, s19, $0xb8;
	[tilespmem:$0x17110] =	vst v63  }
0x34e: {  	s28 =	simm.s32 $0x6400;
	s25 =	simm.s32 $0x9AB0  }
0x34f: {  	[spmem:s2] =	stream.indirect.scatter.add.f32 [tilespmem:s28], [sflag:$0x1], $0x10, s25, s19, $0xb8;
	[tilespmem:$0x17110] =	vst v63  }
0x350: {  	s29 =	simm.s32 $0x6900;
	s26 =	simm.s32 $0x9B00  }
0x351: {  	[spmem:s2] =	stream.indirect.scatter.add.f32 [tilespmem:s29], [sflag:$0x1], $0x10, s26, s19, $0xb8;
	[tilespmem:$0x17110] =	vst v63  }
0x352: {  	s30 =	simm.s32 $0x6E00;
	s28 =	simm.s32 $0x9B50  }
0x353: {  	[spmem:s2] =	stream.indirect.scatter.add.f32 [tilespmem:s30], [sflag:$0x1], $0x10, s28, s19, $0xb8;
	[tilespmem:$0x17110] =	vst v63  }
0x354: {  	s31 =	simm.s32 $0x7300;
	s29 =	simm.s32 $0x9BA0  }
0x355: {  	[spmem:s2] =	stream.indirect.scatter.add.f32 [tilespmem:s31], [sflag:$0x1], $0x10, s29, s19, $0xb8;
	[tilespmem:$0x17110] =	vst v63  }
0x356: {  	s30 =	simm.s32 $0x9BF0;
	s31 =	simm.s32 $0x7800  }
0x357: {  	[spmem:s2] =	stream.indirect.scatter.add.f32 [tilespmem:s31], [sflag:$0x1], $0x10, s30, s19, $0xb8;
	[tilespmem:$0x17110] =	vst v63  }
0x358: {  	_ =	swait.ge [sflag:s6], $0x500  }
0x359: {  	[sflag:s6] =	ssyncset.done $0x0  }
0x35a: {  	[sflag:s6] =	ssyncadd.s32 $0xFFFFFB00  }
0x35b: {  	_ =	swait.ge [sflag:s6], $0x500  }
0x35c: {  	[sflag:s6] =	ssyncset.done $0x0  }
0x35d: {  	[sflag:s6] =	ssyncadd.s32 $0xFFFFFB00  }
0x35e: {  	_ =	swait.ge [sflag:s6], $0x500  }
0x35f: {  	[sflag:s6] =	ssyncset.done $0x0  }
0x360: {  	[sflag:s6] =	ssyncadd.s32 $0xFFFFFB00  }
0x361: {  	_ =	swait.ge [sflag:s6], $0x500  }
0x362: {  	[sflag:s6] =	ssyncset.done $0x0  }
0x363: {  	[sflag:s6] =	ssyncadd.s32 $0xFFFFFB00  }
0x364: {  	_ =	swait.ge [sflag:s6], $0x500  }
0x365: {  	[sflag:s6] =	ssyncset.done $0x0  }
0x366: {  	[sflag:s6] =	ssyncadd.s32 $0xFFFFFB00  }
0x367: {  	_ =	swait.ge [sflag:s6], $0x500  }
0x368: {  	[sflag:s6] =	ssyncset.done $0x0  }
0x369: {  	[sflag:s6] =	ssyncadd.s32 $0xFFFFFB00  }
0x36a: {  	_ =	swait.ge [sflag:s6], $0x500  }
0x36b: {  	[sflag:s6] =	ssyncset.done $0x0  }
0x36c: {  	[sflag:s6] =	ssyncadd.s32 $0xFFFFFB00  }
0x36d: {  	_ =	swait.ge [sflag:s6], $0x500  }
0x36e: {  	[sflag:s6] =	ssyncset.done $0x0  }
0x36f: {  	[sflag:s6] =	ssyncadd.s32 $0xFFFFFB00  }
0x370: {  	_ =	swait.ge [sflag:s6], $0x500  }
0x371: {  	[sflag:s6] =	ssyncset.done $0x0  }
0x372: {  	[sflag:s6] =	ssyncadd.s32 $0xFFFFFB00  }
0x373: {  	_ =	swait.ge [sflag:s6], $0x500  }
0x374: {  	[sflag:s6] =	ssyncset.done $0x0  }
0x375: {  	[sflag:s6] =	ssyncadd.s32 $0xFFFFFB00  }
0x376: {  	_ =	swait.ge [sflag:s6], $0x500  }
0x377: {  	[sflag:s6] =	ssyncset.done $0x0  }
0x378: {  	[sflag:s6] =	ssyncadd.s32 $0xFFFFFB00  }
0x379: {  	_ =	swait.ge [sflag:s6], $0x500  }
0x37a: {  	[sflag:s6] =	ssyncset.done $0x0  }
0x37b: {  	[sflag:s6] =	ssyncadd.s32 $0xFFFFFB00  }
0x37c: {  	_ =	swait.ge [sflag:s6], $0x500  }
0x37d: {  	[sflag:s6] =	ssyncset.done $0x0  }
0x37e: {  	[sflag:s6] =	ssyncadd.s32 $0xFFFFFB00  }
0x37f: {  	_ =	swait.ge [sflag:s6], $0x500  }
0x380: {  	[sflag:s6] =	ssyncset.done $0x0  }
0x381: {  	[sflag:s6] =	ssyncadd.s32 $0xFFFFFB00  }
0x382: {  	_ =	swait.ge [sflag:s6], $0x500  }
0x383: {  	[sflag:s6] =	ssyncset.done $0x0  }
0x384: {  	[sflag:s6] =	ssyncadd.s32 $0xFFFFFB00  }
0x385: {  	_ =	swait.ge [sflag:s6], $0x500  }
0x386: {  	[sflag:s6] =	ssyncset.done $0x0  }
0x387: {  	[sflag:s6] =	ssyncadd.s32 $0xFFFFFB00  }
0x388: {  	_ =	swait.ge [sflag:s6], $0x500  }
0x389: {  	[sflag:s6] =	ssyncset.done $0x0  }
0x38a: {  	[sflag:s6] =	ssyncadd.s32 $0xFFFFFB00  }
0x38b: {  	_ =	swait.ge [sflag:s6], $0x500  }
0x38c: {  	[sflag:s6] =	ssyncset.done $0x0  }
0x38d: {  	[sflag:s6] =	ssyncadd.s32 $0xFFFFFB00  }
0x38e: {  	_ =	swait.ge [sflag:s6], $0x500  }
0x38f: {  	[sflag:s6] =	ssyncset.done $0x0  }
0x390: {  	[sflag:s6] =	ssyncadd.s32 $0xFFFFFB00  }
0x391: {  	_ =	swait.ge [sflag:s6], $0x500  }
0x392: {  	[sflag:s6] =	ssyncset.done $0x0  }
0x393: {  	[sflag:s6] =	ssyncadd.s32 $0xFFFFFB00  }
0x394: {  	_ =	swait.ge [sflag:s6], $0x500  }
0x395: {  	[sflag:s6] =	ssyncset.done $0x0  }
0x396: {  	[sflag:s6] =	ssyncadd.s32 $0xFFFFFB00  }
0x397: {  	_ =	swait.ge [sflag:s6], $0x500  }
0x398: {  	[sflag:s6] =	ssyncset.done $0x0  }
0x399: {  	[sflag:s6] =	ssyncadd.s32 $0xFFFFFB00  }
0x39a: {  	_ =	swait.ge [sflag:s6], $0x500  }
0x39b: {  	[sflag:s6] =	ssyncset.done $0x0  }
0x39c: {  	[sflag:s6] =	ssyncadd.s32 $0xFFFFFB00  }
0x39d: {  	_ =	swait.ge [sflag:s6], $0x500  }
0x39e: {  	[sflag:s6] =	ssyncset.done $0x0  }
0x39f: {  	[sflag:s6] =	ssyncadd.s32 $0xFFFFFB00  }
0x3a0: {  	_ =	swait.ge [sflag:s6], $0x500  }
0x3a1: {  	[sflag:s6] =	ssyncset.done $0x0  }
0x3a2: {  	s31 =	simm.s32 $0xA410;
	[sflag:s6] =	ssyncadd.s32 $0xFFFFFB00  }
0x3a3: {  	[spmem:s3] =	stream.indirect.scatter.add.f32 [tilespmem:s31], [sflag:$0x1], $0x10, s0, s19, $0xb8;
	[tilespmem:$0x17110] =	vst v63  }
0x3a4: {  	s31 =	simm.s32 $0xA910  }
0x3a5: {  	[spmem:s3] =	stream.indirect.scatter.add.f32 [tilespmem:s31], [sflag:$0x1], $0x10, s4, s19, $0xb8;
	[tilespmem:$0x17110] =	vst v63  }
0x3a6: {  	s4 =	simm.s32 $0xAE10  }
0x3a7: {  	[spmem:s3] =	stream.indirect.scatter.add.f32 [tilespmem:s4], [sflag:$0x1], $0x10, s5, s19, $0xb8;
	[tilespmem:$0x17110] =	vst v63  }
0x3a8: {  	s5 =	simm.s32 $0xB310  }
0x3a9: {  	[spmem:s3] =	stream.indirect.scatter.add.f32 [tilespmem:s5], [sflag:$0x1], $0x10, s7, s19, $0xb8;
	[tilespmem:$0x17110] =	vst v63  }
0x3aa: {  	s7 =	simm.s32 $0xB810  }
0x3ab: {  	[spmem:s3] =	stream.indirect.scatter.add.f32 [tilespmem:s7], [sflag:$0x1], $0x10, s8, s19, $0xb8;
	[tilespmem:$0x17110] =	vst v63  }
0x3ac: {  	s8 =	simm.s32 $0xBD10  }
0x3ad: {  	[spmem:s3] =	stream.indirect.scatter.add.f32 [tilespmem:s8], [sflag:$0x1], $0x10, s9, s19, $0xb8;
	[tilespmem:$0x17110] =	vst v63  }
0x3ae: {  	s9 =	simm.s32 $0xC210  }
0x3af: {  	[spmem:s3] =	stream.indirect.scatter.add.f32 [tilespmem:s9], [sflag:$0x1], $0x10, s10, s19, $0xb8;
	[tilespmem:$0x17110] =	vst v63  }
0x3b0: {  	s10 =	simm.s32 $0xC710  }
0x3b1: {  	[spmem:s3] =	stream.indirect.scatter.add.f32 [tilespmem:s10], [sflag:$0x1], $0x10, s11, s19, $0xb8;
	[tilespmem:$0x17110] =	vst v63  }
0x3b2: {  	s11 =	simm.s32 $0xCC10  }
0x3b3: {  	[spmem:s3] =	stream.indirect.scatter.add.f32 [tilespmem:s11], [sflag:$0x1], $0x10, s12, s19, $0xb8;
	[tilespmem:$0x17110] =	vst v63  }
0x3b4: {  	s12 =	simm.s32 $0xD110  }
0x3b5: {  	[spmem:s3] =	stream.indirect.scatter.add.f32 [tilespmem:s12], [sflag:$0x1], $0x10, s13, s19, $0xb8;
	[tilespmem:$0x17110] =	vst v63  }
0x3b6: {  	s13 =	simm.s32 $0xD610  }
0x3b7: {  	[spmem:s3] =	stream.indirect.scatter.add.f32 [tilespmem:s13], [sflag:$0x1], $0x10, s14, s19, $0xb8;
	[tilespmem:$0x17110] =	vst v63  }
0x3b8: {  	s14 =	simm.s32 $0xDB10  }
0x3b9: {  	[spmem:s3] =	stream.indirect.scatter.add.f32 [tilespmem:s14], [sflag:$0x1], $0x10, s15, s19, $0xb8;
	[tilespmem:$0x17110] =	vst v63  }
0x3ba: {  	s15 =	simm.s32 $0xE010  }
0x3bb: {  	[spmem:s3] =	stream.indirect.scatter.add.f32 [tilespmem:s15], [sflag:$0x1], $0x10, s16, s19, $0xb8;
	[tilespmem:$0x17110] =	vst v63  }
0x3bc: {  	s16 =	simm.s32 $0xE510  }
0x3bd: {  	[spmem:s3] =	stream.indirect.scatter.add.f32 [tilespmem:s16], [sflag:$0x1], $0x10, s17, s19, $0xb8;
	[tilespmem:$0x17110] =	vst v63  }
0x3be: {  	s17 =	simm.s32 $0xEA10  }
0x3bf: {  	[spmem:s3] =	stream.indirect.scatter.add.f32 [tilespmem:s17], [sflag:$0x1], $0x10, s18, s19, $0xb8;
	[tilespmem:$0x17110] =	vst v63  }
0x3c0: {  	s18 =	simm.s32 $0xEF10  }
0x3c1: {  	[spmem:s3] =	stream.indirect.scatter.add.f32 [tilespmem:s18], [sflag:$0x1], $0x10, s20, s19, $0xb8;
	[tilespmem:$0x17110] =	vst v63  }
0x3c2: {  	s20 =	simm.s32 $0xF410  }
0x3c3: {  	[spmem:s3] =	stream.indirect.scatter.add.f32 [tilespmem:s20], [sflag:$0x1], $0x10, s21, s19, $0xb8;
	[tilespmem:$0x17110] =	vst v63  }
0x3c4: {  	s21 =	simm.s32 $0xF910  }
0x3c5: {  	[spmem:s3] =	stream.indirect.scatter.add.f32 [tilespmem:s21], [sflag:$0x1], $0x10, s22, s19, $0xb8;
	[tilespmem:$0x17110] =	vst v63  }
0x3c6: {  	s22 =	simm.s32 $0xFE10  }
0x3c7: {  	[spmem:s3] =	stream.indirect.scatter.add.f32 [tilespmem:s22], [sflag:$0x1], $0x10, s23, s19, $0xb8;
	[tilespmem:$0x17110] =	vst v63  }
0x3c8: {  	s23 =	simm.s32 $0x10310  }
0x3c9: {  	[spmem:s3] =	stream.indirect.scatter.add.f32 [tilespmem:s23], [sflag:$0x1], $0x10, s24, s19, $0xb8;
	[tilespmem:$0x17110] =	vst v63  }
0x3ca: {  	s24 =	simm.s32 $0x10810  }
0x3cb: {  	[spmem:s3] =	stream.indirect.scatter.add.f32 [tilespmem:s24], [sflag:$0x1], $0x10, s25, s19, $0xb8;
	[tilespmem:$0x17110] =	vst v63  }
0x3cc: {  	s25 =	simm.s32 $0x10D10  }
0x3cd: {  	[spmem:s3] =	stream.indirect.scatter.add.f32 [tilespmem:s25], [sflag:$0x1], $0x10, s26, s19, $0xb8;
	[tilespmem:$0x17110] =	vst v63  }
0x3ce: {  	s26 =	simm.s32 $0x11210  }
0x3cf: {  	[spmem:s3] =	stream.indirect.scatter.add.f32 [tilespmem:s26], [sflag:$0x1], $0x10, s28, s19, $0xb8;
	[tilespmem:$0x17110] =	vst v63  }
0x3d0: {  	s28 =	simm.s32 $0x11710  }
0x3d1: {  	[spmem:s3] =	stream.indirect.scatter.add.f32 [tilespmem:s28], [sflag:$0x1], $0x10, s29, s19, $0xb8;
	[tilespmem:$0x17110] =	vst v63  }
0x3d2: {  	s31 =	simm.s32 $0x11C10  }
0x3d3: {  	[spmem:s3] =	stream.indirect.scatter.add.f32 [tilespmem:s31], [sflag:$0x1], $0x10, s30, s19, $0xb8;
	[tilespmem:$0x17110] =	vst v63  }
0x3d4: {  	_ =	swait.ge [sflag:s6], $0x500  }
0x3d5: {  	[sflag:s6] =	ssyncset.done $0x0  }
0x3d6: {  	[sflag:s6] =	ssyncadd.s32 $0xFFFFFB00  }
0x3d7: {  	_ =	swait.ge [sflag:s6], $0x500  }
0x3d8: {  	[sflag:s6] =	ssyncset.done $0x0  }
0x3d9: {  	[sflag:s6] =	ssyncadd.s32 $0xFFFFFB00  }
0x3da: {  	_ =	swait.ge [sflag:s6], $0x500  }
0x3db: {  	[sflag:s6] =	ssyncset.done $0x0  }
0x3dc: {  	[sflag:s6] =	ssyncadd.s32 $0xFFFFFB00  }
0x3dd: {  	_ =	swait.ge [sflag:s6], $0x500  }
0x3de: {  	[sflag:s6] =	ssyncset.done $0x0  }
0x3df: {  	[sflag:s6] =	ssyncadd.s32 $0xFFFFFB00  }
0x3e0: {  	_ =	swait.ge [sflag:s6], $0x500  }
0x3e1: {  	[sflag:s6] =	ssyncset.done $0x0  }
0x3e2: {  	[sflag:s6] =	ssyncadd.s32 $0xFFFFFB00  }
0x3e3: {  	_ =	swait.ge [sflag:s6], $0x500  }
0x3e4: {  	[sflag:s6] =	ssyncset.done $0x0  }
0x3e5: {  	[sflag:s6] =	ssyncadd.s32 $0xFFFFFB00  }
0x3e6: {  	_ =	swait.ge [sflag:s6], $0x500  }
0x3e7: {  	[sflag:s6] =	ssyncset.done $0x0  }
0x3e8: {  	[sflag:s6] =	ssyncadd.s32 $0xFFFFFB00  }
0x3e9: {  	_ =	swait.ge [sflag:s6], $0x500  }
0x3ea: {  	[sflag:s6] =	ssyncset.done $0x0  }
0x3eb: {  	[sflag:s6] =	ssyncadd.s32 $0xFFFFFB00  }
0x3ec: {  	_ =	swait.ge [sflag:s6], $0x500  }
0x3ed: {  	[sflag:s6] =	ssyncset.done $0x0  }
0x3ee: {  	[sflag:s6] =	ssyncadd.s32 $0xFFFFFB00  }
0x3ef: {  	_ =	swait.ge [sflag:s6], $0x500  }
0x3f0: {  	[sflag:s6] =	ssyncset.done $0x0  }
0x3f1: {  	[sflag:s6] =	ssyncadd.s32 $0xFFFFFB00  }
0x3f2: {  	_ =	swait.ge [sflag:s6], $0x500  }
0x3f3: {  	[sflag:s6] =	ssyncset.done $0x0  }
0x3f4: {  	[sflag:s6] =	ssyncadd.s32 $0xFFFFFB00  }
0x3f5: {  	_ =	swait.ge [sflag:s6], $0x500  }
0x3f6: {  	[sflag:s6] =	ssyncset.done $0x0  }
0x3f7: {  	[sflag:s6] =	ssyncadd.s32 $0xFFFFFB00  }
0x3f8: {  	_ =	swait.ge [sflag:s6], $0x500  }
0x3f9: {  	[sflag:s6] =	ssyncset.done $0x0  }
0x3fa: {  	[sflag:s6] =	ssyncadd.s32 $0xFFFFFB00  }
0x3fb: {  	_ =	swait.ge [sflag:s6], $0x500  }
0x3fc: {  	[sflag:s6] =	ssyncset.done $0x0  }
0x3fd: {  	[sflag:s6] =	ssyncadd.s32 $0xFFFFFB00  }
0x3fe: {  	_ =	swait.ge [sflag:s6], $0x500  }
0x3ff: {  	[sflag:s6] =	ssyncset.done $0x0  }
0x400: {  	[sflag:s6] =	ssyncadd.s32 $0xFFFFFB00  }
0x401: {  	_ =	swait.ge [sflag:s6], $0x500  }
0x402: {  	[sflag:s6] =	ssyncset.done $0x0  }
0x403: {  	[sflag:s6] =	ssyncadd.s32 $0xFFFFFB00  }
0x404: {  	_ =	swait.ge [sflag:s6], $0x500  }
0x405: {  	[sflag:s6] =	ssyncset.done $0x0  }
0x406: {  	[sflag:s6] =	ssyncadd.s32 $0xFFFFFB00  }
0x407: {  	_ =	swait.ge [sflag:s6], $0x500  }
0x408: {  	[sflag:s6] =	ssyncset.done $0x0  }
0x409: {  	[sflag:s6] =	ssyncadd.s32 $0xFFFFFB00  }
0x40a: {  	_ =	swait.ge [sflag:s6], $0x500  }
0x40b: {  	[sflag:s6] =	ssyncset.done $0x0  }
0x40c: {  	[sflag:s6] =	ssyncadd.s32 $0xFFFFFB00  }
0x40d: {  	_ =	swait.ge [sflag:s6], $0x500  }
0x40e: {  	[sflag:s6] =	ssyncset.done $0x0  }
0x40f: {  	[sflag:s6] =	ssyncadd.s32 $0xFFFFFB00  }
0x410: {  	_ =	swait.ge [sflag:s6], $0x500  }
0x411: {  	[sflag:s6] =	ssyncset.done $0x0  }
0x412: {  	[sflag:s6] =	ssyncadd.s32 $0xFFFFFB00  }
0x413: {  	_ =	swait.ge [sflag:s6], $0x500  }
0x414: {  	[sflag:s6] =	ssyncset.done $0x0  }
0x415: {  	[sflag:s6] =	ssyncadd.s32 $0xFFFFFB00  }
0x416: {  	_ =	swait.ge [sflag:s6], $0x500  }
0x417: {  	[sflag:s6] =	ssyncset.done $0x0  }
0x418: {  	[sflag:s6] =	ssyncadd.s32 $0xFFFFFB00  }
0x419: {  	_ =	swait.ge [sflag:s6], $0x500  }
0x41a: {  	[sflag:s6] =	ssyncset.done $0x0  }
0x41b: {  	[sflag:s6] =	ssyncadd.s32 $0xFFFFFB00  }
0x41c: {  	_ =	swait.ge [sflag:s6], $0x500  }
0x41d: {  	[sflag:s6] =	ssyncset.done $0x0  }
0x41e: {  	s5 =	simm.s32 $0x0;
	s4 =	rddreg [dreg:$0xc];
	[sflag:s6] =	ssyncadd.s32 $0xFFFFFB00  }
0x41f: {  	[tilespmem:s5], [sflag:$0x2] =	stream.linear.gather [hbm4b:s4+s5], $0x7D00, $0x38;
	[tilespmem:$0x17110] =	vst v63  }
0x420: {  	_ =	swait.ge [sflag:s1], $0x7D00  }
0x421: {  	[sflag:s1] =	ssyncset.done $0x0  }
0x422: {  	s0 =	simm.s32 $0x9C40;
	[sflag:s1] =	ssyncadd.s32 $0xFFFF8300  }
0x423: {  	[spmem:s2] =	stream.indirect.scatter.add.f32 [tilespmem:s5], [sflag:$0x1], $0x10, s0, s19, $0xb8;
	[tilespmem:$0x17110] =	vst v63  }
0x424: {  	s7 =	simm.s32 $0x500;
	s4 =	simm.s32 $0x9C90  }
0x425: {  	[spmem:s2] =	stream.indirect.scatter.add.f32 [tilespmem:s7], [sflag:$0x1], $0x10, s4, s19, $0xb8;
	[tilespmem:$0x17110] =	vst v63  }
0x426: {  	s8 =	simm.s32 $0xA00;
	s5 =	simm.s32 $0x9CE0  }
0x427: {  	[spmem:s2] =	stream.indirect.scatter.add.f32 [tilespmem:s8], [sflag:$0x1], $0x10, s5, s19, $0xb8;
	[tilespmem:$0x17110] =	vst v63  }
0x428: {  	s9 =	simm.s32 $0xF00;
	s7 =	simm.s32 $0x9D30  }
0x429: {  	[spmem:s2] =	stream.indirect.scatter.add.f32 [tilespmem:s9], [sflag:$0x1], $0x10, s7, s19, $0xb8;
	[tilespmem:$0x17110] =	vst v63  }
0x42a: {  	s10 =	simm.s32 $0x1400;
	s8 =	simm.s32 $0x9D80  }
0x42b: {  	[spmem:s2] =	stream.indirect.scatter.add.f32 [tilespmem:s10], [sflag:$0x1], $0x10, s8, s19, $0xb8;
	[tilespmem:$0x17110] =	vst v63  }
0x42c: {  	s11 =	simm.s32 $0x1900;
	s9 =	simm.s32 $0x9DD0  }
0x42d: {  	[spmem:s2] =	stream.indirect.scatter.add.f32 [tilespmem:s11], [sflag:$0x1], $0x10, s9, s19, $0xb8;
	[tilespmem:$0x17110] =	vst v63  }
0x42e: {  	s12 =	simm.s32 $0x1E00;
	s10 =	simm.s32 $0x9E20  }
0x42f: {  	[spmem:s2] =	stream.indirect.scatter.add.f32 [tilespmem:s12], [sflag:$0x1], $0x10, s10, s19, $0xb8;
	[tilespmem:$0x17110] =	vst v63  }
0x430: {  	s13 =	simm.s32 $0x2300;
	s11 =	simm.s32 $0x9E70  }
0x431: {  	[spmem:s2] =	stream.indirect.scatter.add.f32 [tilespmem:s13], [sflag:$0x1], $0x10, s11, s19, $0xb8;
	[tilespmem:$0x17110] =	vst v63  }
0x432: {  	s14 =	simm.s32 $0x2800;
	s12 =	simm.s32 $0x9EC0  }
0x433: {  	[spmem:s2] =	stream.indirect.scatter.add.f32 [tilespmem:s14], [sflag:$0x1], $0x10, s12, s19, $0xb8;
	[tilespmem:$0x17110] =	vst v63  }
0x434: {  	s15 =	simm.s32 $0x2D00;
	s13 =	simm.s32 $0x9F10  }
0x435: {  	[spmem:s2] =	stream.indirect.scatter.add.f32 [tilespmem:s15], [sflag:$0x1], $0x10, s13, s19, $0xb8;
	[tilespmem:$0x17110] =	vst v63  }
0x436: {  	s16 =	simm.s32 $0x3200;
	s14 =	simm.s32 $0x9F60  }
0x437: {  	[spmem:s2] =	stream.indirect.scatter.add.f32 [tilespmem:s16], [sflag:$0x1], $0x10, s14, s19, $0xb8;
	[tilespmem:$0x17110] =	vst v63  }
0x438: {  	s17 =	simm.s32 $0x3700;
	s15 =	simm.s32 $0x9FB0  }
0x439: {  	[spmem:s2] =	stream.indirect.scatter.add.f32 [tilespmem:s17], [sflag:$0x1], $0x10, s15, s19, $0xb8;
	[tilespmem:$0x17110] =	vst v63  }
0x43a: {  	s18 =	simm.s32 $0x3C00;
	s16 =	simm.s32 $0xA000  }
0x43b: {  	[spmem:s2] =	stream.indirect.scatter.add.f32 [tilespmem:s18], [sflag:$0x1], $0x10, s16, s19, $0xb8;
	[tilespmem:$0x17110] =	vst v63  }
0x43c: {  	s20 =	simm.s32 $0x4100;
	s17 =	simm.s32 $0xA050  }
0x43d: {  	[spmem:s2] =	stream.indirect.scatter.add.f32 [tilespmem:s20], [sflag:$0x1], $0x10, s17, s19, $0xb8;
	[tilespmem:$0x17110] =	vst v63  }
0x43e: {  	s21 =	simm.s32 $0x4600;
	s18 =	simm.s32 $0xA0A0  }
0x43f: {  	[spmem:s2] =	stream.indirect.scatter.add.f32 [tilespmem:s21], [sflag:$0x1], $0x10, s18, s19, $0xb8;
	[tilespmem:$0x17110] =	vst v63  }
0x440: {  	s22 =	simm.s32 $0x4B00;
	s20 =	simm.s32 $0xA0F0  }
0x441: {  	[spmem:s2] =	stream.indirect.scatter.add.f32 [tilespmem:s22], [sflag:$0x1], $0x10, s20, s19, $0xb8;
	[tilespmem:$0x17110] =	vst v63  }
0x442: {  	s23 =	simm.s32 $0x5000;
	s21 =	simm.s32 $0xA140  }
0x443: {  	[spmem:s2] =	stream.indirect.scatter.add.f32 [tilespmem:s23], [sflag:$0x1], $0x10, s21, s19, $0xb8;
	[tilespmem:$0x17110] =	vst v63  }
0x444: {  	s24 =	simm.s32 $0x5500;
	s22 =	simm.s32 $0xA190  }
0x445: {  	[spmem:s2] =	stream.indirect.scatter.add.f32 [tilespmem:s24], [sflag:$0x1], $0x10, s22, s19, $0xb8;
	[tilespmem:$0x17110] =	vst v63  }
0x446: {  	s25 =	simm.s32 $0x5A00;
	s23 =	simm.s32 $0xA1E0  }
0x447: {  	[spmem:s2] =	stream.indirect.scatter.add.f32 [tilespmem:s25], [sflag:$0x1], $0x10, s23, s19, $0xb8;
	[tilespmem:$0x17110] =	vst v63  }
0x448: {  	s26 =	simm.s32 $0x5F00;
	s24 =	simm.s32 $0xA230  }
0x449: {  	[spmem:s2] =	stream.indirect.scatter.add.f32 [tilespmem:s26], [sflag:$0x1], $0x10, s24, s19, $0xb8;
	[tilespmem:$0x17110] =	vst v63  }
0x44a: {  	s28 =	simm.s32 $0x6400;
	s25 =	simm.s32 $0xA280  }
0x44b: {  	[spmem:s2] =	stream.indirect.scatter.add.f32 [tilespmem:s28], [sflag:$0x1], $0x10, s25, s19, $0xb8;
	[tilespmem:$0x17110] =	vst v63  }
0x44c: {  	s29 =	simm.s32 $0x6900;
	s26 =	simm.s32 $0xA2D0  }
0x44d: {  	[spmem:s2] =	stream.indirect.scatter.add.f32 [tilespmem:s29], [sflag:$0x1], $0x10, s26, s19, $0xb8;
	[tilespmem:$0x17110] =	vst v63  }
0x44e: {  	s30 =	simm.s32 $0x6E00;
	s28 =	simm.s32 $0xA320  }
0x44f: {  	[spmem:s2] =	stream.indirect.scatter.add.f32 [tilespmem:s30], [sflag:$0x1], $0x10, s28, s19, $0xb8;
	[tilespmem:$0x17110] =	vst v63  }
0x450: {  	s31 =	simm.s32 $0x7300;
	s29 =	simm.s32 $0xA370  }
0x451: {  	[spmem:s2] =	stream.indirect.scatter.add.f32 [tilespmem:s31], [sflag:$0x1], $0x10, s29, s19, $0xb8;
	[tilespmem:$0x17110] =	vst v63  }
0x452: {  	s30 =	simm.s32 $0xA3C0;
	s31 =	simm.s32 $0x7800  }
0x453: {  	[spmem:s2] =	stream.indirect.scatter.add.f32 [tilespmem:s31], [sflag:$0x1], $0x10, s30, s19, $0xb8;
	[tilespmem:$0x17110] =	vst v63  }
0x454: {  	_ =	swait.ge [sflag:s6], $0x500  }
0x455: {  	[sflag:s6] =	ssyncset.done $0x0  }
0x456: {  	[sflag:s6] =	ssyncadd.s32 $0xFFFFFB00  }
0x457: {  	_ =	swait.ge [sflag:s6], $0x500  }
0x458: {  	[sflag:s6] =	ssyncset.done $0x0  }
0x459: {  	[sflag:s6] =	ssyncadd.s32 $0xFFFFFB00  }
0x45a: {  	_ =	swait.ge [sflag:s6], $0x500  }
0x45b: {  	[sflag:s6] =	ssyncset.done $0x0  }
0x45c: {  	[sflag:s6] =	ssyncadd.s32 $0xFFFFFB00  }
0x45d: {  	_ =	swait.ge [sflag:s6], $0x500  }
0x45e: {  	[sflag:s6] =	ssyncset.done $0x0  }
0x45f: {  	[sflag:s6] =	ssyncadd.s32 $0xFFFFFB00  }
0x460: {  	_ =	swait.ge [sflag:s6], $0x500  }
0x461: {  	[sflag:s6] =	ssyncset.done $0x0  }
0x462: {  	[sflag:s6] =	ssyncadd.s32 $0xFFFFFB00  }
0x463: {  	_ =	swait.ge [sflag:s6], $0x500  }
0x464: {  	[sflag:s6] =	ssyncset.done $0x0  }
0x465: {  	[sflag:s6] =	ssyncadd.s32 $0xFFFFFB00  }
0x466: {  	_ =	swait.ge [sflag:s6], $0x500  }
0x467: {  	[sflag:s6] =	ssyncset.done $0x0  }
0x468: {  	[sflag:s6] =	ssyncadd.s32 $0xFFFFFB00  }
0x469: {  	_ =	swait.ge [sflag:s6], $0x500  }
0x46a: {  	[sflag:s6] =	ssyncset.done $0x0  }
0x46b: {  	[sflag:s6] =	ssyncadd.s32 $0xFFFFFB00  }
0x46c: {  	_ =	swait.ge [sflag:s6], $0x500  }
0x46d: {  	[sflag:s6] =	ssyncset.done $0x0  }
0x46e: {  	[sflag:s6] =	ssyncadd.s32 $0xFFFFFB00  }
0x46f: {  	_ =	swait.ge [sflag:s6], $0x500  }
0x470: {  	[sflag:s6] =	ssyncset.done $0x0  }
0x471: {  	[sflag:s6] =	ssyncadd.s32 $0xFFFFFB00  }
0x472: {  	_ =	swait.ge [sflag:s6], $0x500  }
0x473: {  	[sflag:s6] =	ssyncset.done $0x0  }
0x474: {  	[sflag:s6] =	ssyncadd.s32 $0xFFFFFB00  }
0x475: {  	_ =	swait.ge [sflag:s6], $0x500  }
0x476: {  	[sflag:s6] =	ssyncset.done $0x0  }
0x477: {  	[sflag:s6] =	ssyncadd.s32 $0xFFFFFB00  }
0x478: {  	_ =	swait.ge [sflag:s6], $0x500  }
0x479: {  	[sflag:s6] =	ssyncset.done $0x0  }
0x47a: {  	[sflag:s6] =	ssyncadd.s32 $0xFFFFFB00  }
0x47b: {  	_ =	swait.ge [sflag:s6], $0x500  }
0x47c: {  	[sflag:s6] =	ssyncset.done $0x0  }
0x47d: {  	[sflag:s6] =	ssyncadd.s32 $0xFFFFFB00  }
0x47e: {  	_ =	swait.ge [sflag:s6], $0x500  }
0x47f: {  	[sflag:s6] =	ssyncset.done $0x0  }
0x480: {  	[sflag:s6] =	ssyncadd.s32 $0xFFFFFB00  }
0x481: {  	_ =	swait.ge [sflag:s6], $0x500  }
0x482: {  	[sflag:s6] =	ssyncset.done $0x0  }
0x483: {  	[sflag:s6] =	ssyncadd.s32 $0xFFFFFB00  }
0x484: {  	_ =	swait.ge [sflag:s6], $0x500  }
0x485: {  	[sflag:s6] =	ssyncset.done $0x0  }
0x486: {  	[sflag:s6] =	ssyncadd.s32 $0xFFFFFB00  }
0x487: {  	_ =	swait.ge [sflag:s6], $0x500  }
0x488: {  	[sflag:s6] =	ssyncset.done $0x0  }
0x489: {  	[sflag:s6] =	ssyncadd.s32 $0xFFFFFB00  }
0x48a: {  	_ =	swait.ge [sflag:s6], $0x500  }
0x48b: {  	[sflag:s6] =	ssyncset.done $0x0  }
0x48c: {  	[sflag:s6] =	ssyncadd.s32 $0xFFFFFB00  }
0x48d: {  	_ =	swait.ge [sflag:s6], $0x500  }
0x48e: {  	[sflag:s6] =	ssyncset.done $0x0  }
0x48f: {  	[sflag:s6] =	ssyncadd.s32 $0xFFFFFB00  }
0x490: {  	_ =	swait.ge [sflag:s6], $0x500  }
0x491: {  	[sflag:s6] =	ssyncset.done $0x0  }
0x492: {  	[sflag:s6] =	ssyncadd.s32 $0xFFFFFB00  }
0x493: {  	_ =	swait.ge [sflag:s6], $0x500  }
0x494: {  	[sflag:s6] =	ssyncset.done $0x0  }
0x495: {  	[sflag:s6] =	ssyncadd.s32 $0xFFFFFB00  }
0x496: {  	_ =	swait.ge [sflag:s6], $0x500  }
0x497: {  	[sflag:s6] =	ssyncset.done $0x0  }
0x498: {  	[sflag:s6] =	ssyncadd.s32 $0xFFFFFB00  }
0x499: {  	_ =	swait.ge [sflag:s6], $0x500  }
0x49a: {  	[sflag:s6] =	ssyncset.done $0x0  }
0x49b: {  	[sflag:s6] =	ssyncadd.s32 $0xFFFFFB00  }
0x49c: {  	_ =	swait.ge [sflag:s6], $0x500  }
0x49d: {  	[sflag:s6] =	ssyncset.done $0x0  }
0x49e: {  	s31 =	simm.s32 $0xA410;
	[sflag:s6] =	ssyncadd.s32 $0xFFFFFB00  }
0x49f: {  	[spmem:s3] =	stream.indirect.scatter.add.f32 [tilespmem:s31], [sflag:$0x1], $0x10, s0, s19, $0xb8;
	[tilespmem:$0x17110] =	vst v63  }
0x4a0: {  	s31 =	simm.s32 $0xA910  }
0x4a1: {  	[spmem:s3] =	stream.indirect.scatter.add.f32 [tilespmem:s31], [sflag:$0x1], $0x10, s4, s19, $0xb8;
	[tilespmem:$0x17110] =	vst v63  }
0x4a2: {  	s4 =	simm.s32 $0xAE10  }
0x4a3: {  	[spmem:s3] =	stream.indirect.scatter.add.f32 [tilespmem:s4], [sflag:$0x1], $0x10, s5, s19, $0xb8;
	[tilespmem:$0x17110] =	vst v63  }
0x4a4: {  	s5 =	simm.s32 $0xB310  }
0x4a5: {  	[spmem:s3] =	stream.indirect.scatter.add.f32 [tilespmem:s5], [sflag:$0x1], $0x10, s7, s19, $0xb8;
	[tilespmem:$0x17110] =	vst v63  }
0x4a6: {  	s7 =	simm.s32 $0xB810  }
0x4a7: {  	[spmem:s3] =	stream.indirect.scatter.add.f32 [tilespmem:s7], [sflag:$0x1], $0x10, s8, s19, $0xb8;
	[tilespmem:$0x17110] =	vst v63  }
0x4a8: {  	s8 =	simm.s32 $0xBD10  }
0x4a9: {  	[spmem:s3] =	stream.indirect.scatter.add.f32 [tilespmem:s8], [sflag:$0x1], $0x10, s9, s19, $0xb8;
	[tilespmem:$0x17110] =	vst v63  }
0x4aa: {  	s9 =	simm.s32 $0xC210  }
0x4ab: {  	[spmem:s3] =	stream.indirect.scatter.add.f32 [tilespmem:s9], [sflag:$0x1], $0x10, s10, s19, $0xb8;
	[tilespmem:$0x17110] =	vst v63  }
0x4ac: {  	s10 =	simm.s32 $0xC710  }
0x4ad: {  	[spmem:s3] =	stream.indirect.scatter.add.f32 [tilespmem:s10], [sflag:$0x1], $0x10, s11, s19, $0xb8;
	[tilespmem:$0x17110] =	vst v63  }
0x4ae: {  	s31 =	simm.s32 $0xCC10  }
0x4af: {  	[spmem:s3] =	stream.indirect.scatter.add.f32 [tilespmem:s31], [sflag:$0x1], $0x10, s12, s19, $0xb8;
	[tilespmem:$0x17110] =	vst v63  }
0x4b0: {  	s4 =	simm.s32 $0xD110  }
0x4b1: {  	[spmem:s3] =	stream.indirect.scatter.add.f32 [tilespmem:s4], [sflag:$0x1], $0x10, s13, s19, $0xb8;
	[tilespmem:$0x17110] =	vst v63  }
0x4b2: {  	s5 =	simm.s32 $0xD610  }
0x4b3: {  	[spmem:s3] =	stream.indirect.scatter.add.f32 [tilespmem:s5], [sflag:$0x1], $0x10, s14, s19, $0xb8;
	[tilespmem:$0x17110] =	vst v63  }
0x4b4: {  	s7 =	simm.s32 $0xDB10  }
0x4b5: {  	[spmem:s3] =	stream.indirect.scatter.add.f32 [tilespmem:s7], [sflag:$0x1], $0x10, s15, s19, $0xb8;
	[tilespmem:$0x17110] =	vst v63  }
0x4b6: {  	s8 =	simm.s32 $0xE010  }
0x4b7: {  	[spmem:s3] =	stream.indirect.scatter.add.f32 [tilespmem:s8], [sflag:$0x1], $0x10, s16, s19, $0xb8;
	[tilespmem:$0x17110] =	vst v63  }
0x4b8: {  	s9 =	simm.s32 $0xE510  }
0x4b9: {  	[spmem:s3] =	stream.indirect.scatter.add.f32 [tilespmem:s9], [sflag:$0x1], $0x10, s17, s19, $0xb8;
	[tilespmem:$0x17110] =	vst v63  }
0x4ba: {  	s10 =	simm.s32 $0xEA10  }
0x4bb: {  	[spmem:s3] =	stream.indirect.scatter.add.f32 [tilespmem:s10], [sflag:$0x1], $0x10, s18, s19, $0xb8;
	[tilespmem:$0x17110] =	vst v63  }
0x4bc: {  	s11 =	simm.s32 $0xEF10  }
0x4bd: {  	[spmem:s3] =	stream.indirect.scatter.add.f32 [tilespmem:s11], [sflag:$0x1], $0x10, s20, s19, $0xb8;
	[tilespmem:$0x17110] =	vst v63  }
0x4be: {  	s12 =	simm.s32 $0xF410  }
0x4bf: {  	[spmem:s3] =	stream.indirect.scatter.add.f32 [tilespmem:s12], [sflag:$0x1], $0x10, s21, s19, $0xb8;
	[tilespmem:$0x17110] =	vst v63  }
0x4c0: {  	s13 =	simm.s32 $0xF910  }
0x4c1: {  	[spmem:s3] =	stream.indirect.scatter.add.f32 [tilespmem:s13], [sflag:$0x1], $0x10, s22, s19, $0xb8;
	[tilespmem:$0x17110] =	vst v63  }
0x4c2: {  	s14 =	simm.s32 $0xFE10  }
0x4c3: {  	[spmem:s3] =	stream.indirect.scatter.add.f32 [tilespmem:s14], [sflag:$0x1], $0x10, s23, s19, $0xb8;
	[tilespmem:$0x17110] =	vst v63  }
0x4c4: {  	s15 =	simm.s32 $0x10310  }
0x4c5: {  	[spmem:s3] =	stream.indirect.scatter.add.f32 [tilespmem:s15], [sflag:$0x1], $0x10, s24, s19, $0xb8;
	[tilespmem:$0x17110] =	vst v63  }
0x4c6: {  	s16 =	simm.s32 $0x10810  }
0x4c7: {  	[spmem:s3] =	stream.indirect.scatter.add.f32 [tilespmem:s16], [sflag:$0x1], $0x10, s25, s19, $0xb8;
	[tilespmem:$0x17110] =	vst v63  }
0x4c8: {  	s17 =	simm.s32 $0x10D10  }
0x4c9: {  	[spmem:s3] =	stream.indirect.scatter.add.f32 [tilespmem:s17], [sflag:$0x1], $0x10, s26, s19, $0xb8;
	[tilespmem:$0x17110] =	vst v63  }
0x4ca: {  	s18 =	simm.s32 $0x11210  }
0x4cb: {  	[spmem:s3] =	stream.indirect.scatter.add.f32 [tilespmem:s18], [sflag:$0x1], $0x10, s28, s19, $0xb8;
	[tilespmem:$0x17110] =	vst v63  }
0x4cc: {  	s20 =	simm.s32 $0x11710  }
0x4cd: {  	[spmem:s3] =	stream.indirect.scatter.add.f32 [tilespmem:s20], [sflag:$0x1], $0x10, s29, s19, $0xb8;
	[tilespmem:$0x17110] =	vst v63  }
0x4ce: {  	s21 =	simm.s32 $0x11C10  }
0x4cf: {  	[spmem:s3] =	stream.indirect.scatter.add.f32 [tilespmem:s21], [sflag:$0x1], $0x10, s30, s19, $0xb8;
	[tilespmem:$0x17110] =	vst v63  }
0x4d0: {  	_ =	swait.ge [sflag:s6], $0x500  }
0x4d1: {  	[sflag:s6] =	ssyncset.done $0x0  }
0x4d2: {  	[sflag:s6] =	ssyncadd.s32 $0xFFFFFB00  }
0x4d3: {  	_ =	swait.ge [sflag:s6], $0x500  }
0x4d4: {  	[sflag:s6] =	ssyncset.done $0x0  }
0x4d5: {  	[sflag:s6] =	ssyncadd.s32 $0xFFFFFB00  }
0x4d6: {  	_ =	swait.ge [sflag:s6], $0x500  }
0x4d7: {  	[sflag:s6] =	ssyncset.done $0x0  }
0x4d8: {  	[sflag:s6] =	ssyncadd.s32 $0xFFFFFB00  }
0x4d9: {  	_ =	swait.ge [sflag:s6], $0x500  }
0x4da: {  	[sflag:s6] =	ssyncset.done $0x0  }
0x4db: {  	[sflag:s6] =	ssyncadd.s32 $0xFFFFFB00  }
0x4dc: {  	_ =	swait.ge [sflag:s6], $0x500  }
0x4dd: {  	[sflag:s6] =	ssyncset.done $0x0  }
0x4de: {  	[sflag:s6] =	ssyncadd.s32 $0xFFFFFB00  }
0x4df: {  	_ =	swait.ge [sflag:s6], $0x500  }
0x4e0: {  	[sflag:s6] =	ssyncset.done $0x0  }
0x4e1: {  	[sflag:s6] =	ssyncadd.s32 $0xFFFFFB00  }
0x4e2: {  	_ =	swait.ge [sflag:s6], $0x500  }
0x4e3: {  	[sflag:s6] =	ssyncset.done $0x0  }
0x4e4: {  	[sflag:s6] =	ssyncadd.s32 $0xFFFFFB00  }
0x4e5: {  	_ =	swait.ge [sflag:s6], $0x500  }
0x4e6: {  	[sflag:s6] =	ssyncset.done $0x0  }
0x4e7: {  	[sflag:s6] =	ssyncadd.s32 $0xFFFFFB00  }
0x4e8: {  	_ =	swait.ge [sflag:s6], $0x500  }
0x4e9: {  	[sflag:s6] =	ssyncset.done $0x0  }
0x4ea: {  	[sflag:s6] =	ssyncadd.s32 $0xFFFFFB00  }
0x4eb: {  	_ =	swait.ge [sflag:s6], $0x500  }
0x4ec: {  	[sflag:s6] =	ssyncset.done $0x0  }
0x4ed: {  	[sflag:s6] =	ssyncadd.s32 $0xFFFFFB00  }
0x4ee: {  	_ =	swait.ge [sflag:s6], $0x500  }
0x4ef: {  	[sflag:s6] =	ssyncset.done $0x0  }
0x4f0: {  	[sflag:s6] =	ssyncadd.s32 $0xFFFFFB00  }
0x4f1: {  	_ =	swait.ge [sflag:s6], $0x500  }
0x4f2: {  	[sflag:s6] =	ssyncset.done $0x0  }
0x4f3: {  	[sflag:s6] =	ssyncadd.s32 $0xFFFFFB00  }
0x4f4: {  	_ =	swait.ge [sflag:s6], $0x500  }
0x4f5: {  	[sflag:s6] =	ssyncset.done $0x0  }
0x4f6: {  	[sflag:s6] =	ssyncadd.s32 $0xFFFFFB00  }
0x4f7: {  	_ =	swait.ge [sflag:s6], $0x500  }
0x4f8: {  	[sflag:s6] =	ssyncset.done $0x0  }
0x4f9: {  	[sflag:s6] =	ssyncadd.s32 $0xFFFFFB00  }
0x4fa: {  	_ =	swait.ge [sflag:s6], $0x500  }
0x4fb: {  	[sflag:s6] =	ssyncset.done $0x0  }
0x4fc: {  	[sflag:s6] =	ssyncadd.s32 $0xFFFFFB00  }
0x4fd: {  	_ =	swait.ge [sflag:s6], $0x500  }
0x4fe: {  	[sflag:s6] =	ssyncset.done $0x0  }
0x4ff: {  	[sflag:s6] =	ssyncadd.s32 $0xFFFFFB00  }
0x500: {  	_ =	swait.ge [sflag:s6], $0x500  }
0x501: {  	[sflag:s6] =	ssyncset.done $0x0  }
0x502: {  	[sflag:s6] =	ssyncadd.s32 $0xFFFFFB00  }
0x503: {  	_ =	swait.ge [sflag:s6], $0x500  }
0x504: {  	[sflag:s6] =	ssyncset.done $0x0  }
0x505: {  	[sflag:s6] =	ssyncadd.s32 $0xFFFFFB00  }
0x506: {  	_ =	swait.ge [sflag:s6], $0x500  }
0x507: {  	[sflag:s6] =	ssyncset.done $0x0  }
0x508: {  	[sflag:s6] =	ssyncadd.s32 $0xFFFFFB00  }
0x509: {  	_ =	swait.ge [sflag:s6], $0x500  }
0x50a: {  	[sflag:s6] =	ssyncset.done $0x0  }
0x50b: {  	[sflag:s6] =	ssyncadd.s32 $0xFFFFFB00  }
0x50c: {  	_ =	swait.ge [sflag:s6], $0x500  }
0x50d: {  	[sflag:s6] =	ssyncset.done $0x0  }
0x50e: {  	[sflag:s6] =	ssyncadd.s32 $0xFFFFFB00  }
0x50f: {  	_ =	swait.ge [sflag:s6], $0x500  }
0x510: {  	[sflag:s6] =	ssyncset.done $0x0  }
0x511: {  	[sflag:s6] =	ssyncadd.s32 $0xFFFFFB00  }
0x512: {  	_ =	swait.ge [sflag:s6], $0x500  }
0x513: {  	[sflag:s6] =	ssyncset.done $0x0  }
0x514: {  	[sflag:s6] =	ssyncadd.s32 $0xFFFFFB00  }
0x515: {  	_ =	swait.ge [sflag:s6], $0x500  }
0x516: {  	[sflag:s6] =	ssyncset.done $0x0  }
0x517: {  	[sflag:s6] =	ssyncadd.s32 $0xFFFFFB00  }
0x518: {  	_ =	swait.ge [sflag:s6], $0x500  }
0x519: {  	[sflag:s6] =	ssyncset.done $0x0  }
0x51a: {  	[sflag:s6] =	ssyncadd.s32 $0xFFFFFB00  }
0x51b: {  	s22 =	stileid.u32;
	[bflag:$0x0] =	sbarrier.arrive $0xFFFF  }
0x51c: {  	s23 =	sshll.u32 s22, $0x6;
	s24 =	rddreg [dreg:$0x5]  }
0x51d: {  	s23 =	sor.u32 $0x1C02, s23;
	s26 =	rddreg [dreg:$0xd];
	s25 =	sshrl.u32 s24, $0x3  }
0x51e: {  	[hbm:s26], [sflag:s23] =	dma.local [spmem:s25], $0x500  }
0x51f: {  	_ =	swait.ge [sflag:s1], $0x500  }
0x520: {  	[sflag:s1] =	ssyncset.done $0x0;
	s28 =	rddreg [dreg:$0x6]  }
0x521: {  	s29 =	rddreg [dreg:$0xe];
	[sflag:s1] =	ssyncadd.s32 $0xFFFFFB00;
	s25 =	sshrl.u32 s28, $0x3  }
0x522: {  	[hbm:s29], [sflag:s23] =	dma.local [spmem:s25], $0x500  }
0x523: {  	_ =	swait.ge [sflag:s1], $0x500  }
0x524: {  	s30 =	rddreg [dreg:$0x10]  }
0x525: {  	s31 =	rddreg [dreg:$0xf];
	s0 =	sadd.s32 $0x1, s30  }
0x526: {  	p0 =	sne.s32 s0, s31  }
.Ltmp2:
0x527: {  	_ = 	snop;
	(pc) =	sbr.rel @p0 .LBB2_1-.Ltmp2, $3  }
0x528: {  	_ =	sdelay $0x1  }
0x529: {  	[sflag:s1] =	ssyncset.done $0x0  }
0x52a: {  	[sflag:s1] =	ssyncadd.s32 $0xFFFFFB00  }
0x52b: {  	_ =	sfence.sel $0x180000  }
0x52c: {  	[bflag:$0x0] =	sbarrier.arrive $0xFFFF  }
0x52d: {  	_ =	strace $0x90000047  }
0x52e: {  	s0 =	stileid.u32;
	[bflag:$0x2] =	sbarrier.arrive $0xFFFF  }
0x52f: {  	p0 =	sne.s32 s0, $0x0;
	s0 =	rddreg [dreg:$0x4]  }
0x530: {  	s0 =	sadd.s32 @!p0 $0x100000, s0  }
0x531: {  	[sflag:s0] =	ssyncadd.tile.s32 @!p0 $0x1;
	_ =	shalt  }
.Lfunc_end2:
_tile_overlayer_lowered:
.L_overlay_start_2:
0x532: {  	(tag) =	ssettag $0x2  }
0x533: {  	s0 =	rddreg [dreg:$0x0];
	s2 =	stileid.u32  }
0x534: {  	s1 =	rddreg [dreg:$0x1];
	p0 =	sne.s32 s2, $0x0  }
0x535: {  	s3 =	rddreg [dreg:$0x2];
	[bflag:$0x3] =	sbarrier.arrive $0xFFFF;
	s2 =	simm.s32 @!p0 $0x1C02  }
0x536: {  	[timem:s3], [sflag:s2] =	dma.local @!p0 [hbm:s0], s1  }
0x537: {  	s0 =	simm.s32 @!p0 $0x2  }
0x538: {  	_ =	swait.ge @!p0 [sflag:s0], s1  }
0x539: {  	s1 =	ssub.s32 @!p0 $0x0, s1;
	[sflag:s0] =	ssyncset.done @!p0 $0x0  }
0x53a: {  	[sflag:s0] =	ssyncadd.s32 @!p0 s1  }
0x53b: {  	[bflag:$0x3] =	sbarrier.arrive $0xFFFF  }
0x53c: {  	_ =	shalt  }

</sc_bundles>
